<compile_context>
chip_gen: v7x
topology: tpu7x:2x2x1
jax: 0.10.2.dev20260603
libtpu: 0.0.44.dev20260713+nightly
codegen_flags: <defaults>
</compile_context>

<pallas_src>
import functools

import jax
import jax.numpy as jnp
from jax import lax
from jax.experimental import pallas as pl
from jax.experimental.pallas import tpu as pltpu
from jax.experimental.pallas import tpu_sc as plsc

N_NODES = 10000
N_EDGES = 320000
D_FEAT = 128
D_EDGE = 16

NC = 2
NS = 16
NW = NC * NS
EPW = N_EDGES // NW
CHUNK = 80
NCHUNK = EPW // CHUNK
PAD_NODES = 10240
ROWS_PER_TILE = PAD_NODES // NS


def _xr_body(x_ref, w_ref, o_ref):
    o_ref[...] = jnp.dot(x_ref[...], w_ref[...], preferred_element_type=jnp.float32)


def _compute_xr(x, w_top):
    bn = 2000
    return pl.pallas_call(
        _xr_body,
        grid=(N_NODES // bn,),
        in_specs=[
            pl.BlockSpec((bn, D_FEAT), lambda i: (i, 0)),
            pl.BlockSpec((D_FEAT, D_FEAT), lambda i: (0, 0)),
        ],
        out_specs=pl.BlockSpec((bn, D_FEAT), lambda i: (i, 0)),
        out_shape=jax.ShapeDtypeStruct((N_NODES, D_FEAT), jnp.float32),
    )(x, w_top)


def _eterm_body(ea_ref, we_ref, be_ref, wb_ref, br_ref, o_ref):
    h = jnp.dot(ea_ref[...], we_ref[...], preferred_element_type=jnp.float32)
    h = jnp.maximum(h + be_ref[...], 0.0)
    o_ref[...] = jnp.dot(h, wb_ref[...], preferred_element_type=jnp.float32) + br_ref[...]


def _compute_eterm(edge_attr, w_edge, b_edge, w_bot, b_res):
    be = 8000
    return pl.pallas_call(
        _eterm_body,
        grid=(N_EDGES // be,),
        in_specs=[
            pl.BlockSpec((be, D_EDGE), lambda i: (i, 0)),
            pl.BlockSpec((D_EDGE, D_EDGE), lambda i: (0, 0)),
            pl.BlockSpec((1, D_EDGE), lambda i: (0, 0)),
            pl.BlockSpec((D_EDGE, D_FEAT), lambda i: (0, 0)),
            pl.BlockSpec((1, D_FEAT), lambda i: (0, 0)),
        ],
        out_specs=pl.BlockSpec((be, D_FEAT), lambda i: (i, 0)),
        out_shape=jax.ShapeDtypeStruct((N_EDGES, D_FEAT), jnp.float32),
    )(edge_attr, w_edge, b_edge.reshape(1, D_EDGE), w_bot, b_res.reshape(1, D_FEAT))


def _sc_body(src_hbm, dst_hbm, xr_hbm, ete_hbm, zero_hbm, out_hbm,
             src_v, didx_v, rows_v, ete_v, agg_sh, sem):
    c = lax.axis_index("c")
    s = lax.axis_index("s")
    wid = c * NS + s

    pltpu.sync_copy(zero_hbm.at[pl.ds(s * ROWS_PER_TILE, ROWS_PER_TILE)],
                    agg_sh.at[pl.ds(s * ROWS_PER_TILE, ROWS_PER_TILE)])

    pltpu.sync_copy(src_hbm.at[wid], src_v)
    plsc.subcore_barrier()

    def chunk(j, carry):
        pltpu.sync_copy(dst_hbm.at[wid, j], didx_v)
        gcopy = pltpu.async_copy(xr_hbm.at[src_v.at[j]], rows_v, sem)
        pltpu.sync_copy(ete_hbm.at[wid, j], ete_v)
        gcopy.wait()

        def row(i, carry2):
            for k in range(D_FEAT // 16):
                v = rows_v[i, pl.ds(k * 16, 16)] + ete_v[i, pl.ds(k * 16, 16)]
                rows_v[i, pl.ds(k * 16, 16)] = jnp.maximum(v, 0.0)
            return carry2

        lax.fori_loop(0, CHUNK, row, 0, unroll=2)

        pltpu.sync_copy(rows_v, agg_sh.at[didx_v], add=True)
        return carry

    lax.fori_loop(0, NCHUNK, chunk, 0)

    plsc.subcore_barrier()

    pltpu.sync_copy(agg_sh.at[pl.ds(s * ROWS_PER_TILE, ROWS_PER_TILE)],
                    out_hbm.at[c, pl.ds(s * ROWS_PER_TILE, ROWS_PER_TILE)])


def _sc_aggregate(src_r, dst_r, xr, eterm_r, zeros):
    mesh = plsc.VectorSubcoreMesh(core_axis_name="c", subcore_axis_name="s",
                                  num_cores=NC, num_subcores=NS)
    f = pl.kernel(
        _sc_body,
        out_type=jax.ShapeDtypeStruct((NC, PAD_NODES, D_FEAT), jnp.float32),
        mesh=mesh,
        scratch_types=[
            pltpu.VMEM((NCHUNK, CHUNK), jnp.int32),
            pltpu.VMEM((CHUNK,), jnp.int32),
            pltpu.VMEM((CHUNK, D_FEAT), jnp.float32),
            pltpu.VMEM((CHUNK, D_FEAT), jnp.float32),
            pltpu.VMEM_SHARED((PAD_NODES, D_FEAT), jnp.float32),
            pltpu.SemaphoreType.DMA,
        ],
    )
    return f(src_r, dst_r, xr, eterm_r, zeros)


def _out_body(p0_ref, p1_ref, x_ref, w1_ref, b1_ref, w2_ref, b2_ref, o_ref):
    t = p0_ref[...] + p1_ref[...] + x_ref[...]
    h = jnp.dot(t, w1_ref[...], preferred_element_type=jnp.float32)
    h = jnp.maximum(h + b1_ref[...], 0.0)
    o_ref[...] = jnp.dot(h, w2_ref[...], preferred_element_type=jnp.float32) + b2_ref[...]


def _compute_out(p0, p1, x, w1, b1, w2, b2):
    bn = 2000
    return pl.pallas_call(
        _out_body,
        grid=(N_NODES // bn,),
        in_specs=[
            pl.BlockSpec((bn, D_FEAT), lambda i: (i, 0)),
            pl.BlockSpec((bn, D_FEAT), lambda i: (i, 0)),
            pl.BlockSpec((bn, D_FEAT), lambda i: (i, 0)),
            pl.BlockSpec((D_FEAT, D_FEAT), lambda i: (0, 0)),
            pl.BlockSpec((1, D_FEAT), lambda i: (0, 0)),
            pl.BlockSpec((D_FEAT, D_FEAT), lambda i: (0, 0)),
            pl.BlockSpec((1, D_FEAT), lambda i: (0, 0)),
        ],
        out_specs=pl.BlockSpec((bn, D_FEAT), lambda i: (i, 0)),
        out_shape=jax.ShapeDtypeStruct((N_NODES, D_FEAT), jnp.float32),
    )(p0, p1, x, w1, b1.reshape(1, D_FEAT), w2, b2.reshape(1, D_FEAT))


def kernel(x, edge_index, edge_attr, W_edge, b_edge, W_res, b_res, W1, b1, W2, b2):
    src = edge_index[0].astype(jnp.int32)
    dst = edge_index[1].astype(jnp.int32)
    w_top = W_res[:D_FEAT]
    w_bot = W_res[D_FEAT:]

    xr = _compute_xr(x, w_top)
    eterm = _compute_eterm(edge_attr, W_edge, b_edge, w_bot, b_res)

    src_r = src.reshape(NW, NCHUNK, CHUNK)
    dst_r = dst.reshape(NW, NCHUNK, CHUNK)
    eterm_r = eterm.reshape(NW, NCHUNK, CHUNK, D_FEAT)
    zeros = jnp.zeros((PAD_NODES, D_FEAT), jnp.float32)

    partial = _sc_aggregate(src_r, dst_r, xr, eterm_r, zeros)

    return _compute_out(partial[0, :N_NODES], partial[1, :N_NODES], x, W1, b1, W2, b2)

# --- scband reference (transcript-rebuilt; emitter-appended) ---
"""Pipeline reference for scband-py-g-helper-79800492359963 (READ-ONLY COPY).

The authoritative reference and input builder live on the scoring server;
editing this copy changes nothing except your own understanding.
"""

import jax, jax.numpy as jnp
import numpy as np

N_NODES = 10000
N_EDGES = 320000
D_FEAT = 128
D_EDGE = 16
EPS = 0.0


def setup_inputs(seed: int = 0) -> dict:
    key = jax.random.key(seed)
    ks = jax.random.split(key, 12)
    x = jax.random.normal(ks[0], (N_NODES, D_FEAT), dtype=jnp.float32)
    edge_index = jax.random.randint(ks[1], (2, N_EDGES), 0, N_NODES, dtype=jnp.int64 if jax.config.jax_enable_x64 else jnp.int32)
    edge_attr = jax.random.normal(ks[2], (N_EDGES, D_EDGE), dtype=jnp.float32)
    # edge_mapper: Linear(D_EDGE -> D_EDGE) + relu
    W_edge = jax.random.normal(ks[3], (D_EDGE, D_EDGE), dtype=jnp.float32) * (1.0 / np.sqrt(D_EDGE))
    b_edge = jnp.zeros((D_EDGE,), dtype=jnp.float32)
    # residual_mapping: Linear(D_FEAT + D_EDGE -> D_FEAT) + relu
    W_res = jax.random.normal(ks[4], (D_FEAT + D_EDGE, D_FEAT), dtype=jnp.float32) * (1.0 / np.sqrt(D_FEAT + D_EDGE))
    b_res = jnp.zeros((D_FEAT,), dtype=jnp.float32)
    # nn (MLP [in, in, out]): Linear + relu + Linear
    W1 = jax.random.normal(ks[5], (D_FEAT, D_FEAT), dtype=jnp.float32) * (1.0 / np.sqrt(D_FEAT))
    b1 = jnp.zeros((D_FEAT,), dtype=jnp.float32)
    W2 = jax.random.normal(ks[6], (D_FEAT, D_FEAT), dtype=jnp.float32) * (1.0 / np.sqrt(D_FEAT))
    b2 = jnp.zeros((D_FEAT,), dtype=jnp.float32)
    return {
        "x": x,
        "edge_index": edge_index,
        "edge_attr": edge_attr,
        "W_edge": W_edge,
        "b_edge": b_edge,
        "W_res": W_res,
        "b_res": b_res,
        "W1": W1,
        "b1": b1,
        "W2": W2,
        "b2": b2,
    }


def reference(x, edge_index, edge_attr, W_edge, b_edge, W_res, b_res, W1, b1, W2, b2):
    src = edge_index[0]  # x_j source nodes
    dst = edge_index[1]  # aggregation targets
    # message(): edge_attr = edge_mapper(edge_attr)
    ea = jax.nn.relu(edge_attr @ W_edge + b_edge)
    # gather source node features
    x_j = jnp.take(x, src, axis=0)
    # residual_mapping over concat(x_j, edge_attr)
    msg = jax.nn.relu(jnp.concatenate([x_j, ea], axis=-1) @ W_res + b_res)
    # aggregate: scatter-add to destination nodes
    agg = jax.ops.segment_sum(msg, dst, num_segments=x.shape[0])
    # out = out + (1 + eps) * x_r
    out = agg + (1.0 + EPS) * x
    # nn: MLP [in, in, out]
    h = jax.nn.relu(out @ W1 + b1)
    out = h @ W2 + b2
    return out

if __name__ == "__main__":
    import jax
    _d = setup_inputs()
    print(jax.jit(kernel)(*tuple(_d.values())))

</pallas_src>

<mosaic_0001>
#map = affine_map<(d0, d1) -> (0, 0, 0)>
#map1 = affine_map<(d0, d1) -> (0, 0)>
#map2 = affine_map<(d0, d1) -> (0, 0, 0, 0)>
module attributes {stable_mosaic.version = 14 : i64} {
  func.func @_sc_body(%arg0: i32, %arg1: i32, %arg2: memref<32x125x80xi32, #tpu.memory_space<hbm>>, %arg3: memref<32x125x80xi32, #tpu.memory_space<hbm>>, %arg4: memref<10000x128xf32, #tpu.memory_space<hbm>>, %arg5: memref<32x125x80x128xf32, #tpu.memory_space<hbm>>, %arg6: memref<10240x128xf32, #tpu.memory_space<hbm>>, %arg7: memref<2x10240x128xf32, #tpu.memory_space<hbm>>, %arg8: memref<125x80xi32, #tpu.memory_space<vmem>>, %arg9: memref<80xi32, #tpu.memory_space<vmem>>, %arg10: memref<80x128xf32, #tpu.memory_space<vmem>>, %arg11: memref<80x128xf32, #tpu.memory_space<vmem>>, %arg12: memref<10240x128xf32, #tpu.memory_space<vmem_shared>>, %arg13: memref<!tpu.dma_semaphore, #tpu.memory_space<semaphore_mem>>) attributes {dimension_semantics = [#tpu.dimension_semantics<core_parallel>, #tpu.dimension_semantics<subcore_parallel>], iteration_bounds = array<i64: 2, 16>, scalar_prefetch = 0 : i64, scratch_operands = 6 : i64, tpu.core_type = #tpu.core_type<sc_vector_subcore>, window_params = [{transform_indices = #map}, {transform_indices = #map}, {transform_indices = #map1}, {transform_indices = #map2}, {transform_indices = #map1}, {transform_indices = #map}]} {
    %mul3A = arith.constant 16 : i32
    %mul3A_0 = arith.muli %arg0, %mul3A : i32
    %add3A = arith.addi %mul3A_0, %arg1 : i32
    %mul3A_1 = arith.constant 640 : i32
    %mul3A_2 = arith.muli %arg1, %mul3A_1 : i32
    %mul3A_3 = arith.constant 640 : i32
    %mul3A_4 = arith.muli %arg1, %mul3A_3 : i32
    "tpu.region"() ({
      %run_scoped3A = tpu.sem_alloc : memref<!tpu.dma_semaphore, #tpu.memory_space<semaphore_mem>>
      %dma_start3A = arith.constant 0 : i32
      %dma_start3A_15 = tpu.memref_slice %arg12[%mul3A_4, %dma_start3A] : memref<10240x128xf32, #tpu.memory_space<vmem_shared>> -> memref<640x128xf32, #tpu.memory_space<vmem_shared>>
      %dma_start3A_16 = arith.constant 0 : i32
      %dma_start3A_17 = tpu.memref_slice %arg6[%mul3A_2, %dma_start3A_16] : memref<10240x128xf32, #tpu.memory_space<hbm>> -> memref<640x128xf32, #tpu.memory_space<hbm>>
      tpu.enqueue_dma source(%dma_start3A_17 : memref<640x128xf32, #tpu.memory_space<hbm>>) target(%dma_start3A_15 : memref<640x128xf32, #tpu.memory_space<vmem_shared>>) target_semaphore(%run_scoped3A : memref<!tpu.dma_semaphore, #tpu.memory_space<semaphore_mem>>)
      %dma_wait3A = arith.constant 0 : i32
      %dma_wait3A_18 = tpu.memref_slice %arg12[%mul3A_4, %dma_wait3A] : memref<10240x128xf32, #tpu.memory_space<vmem_shared>> -> memref<640x128xf32, #tpu.memory_space<vmem_shared>>
      %dma_wait3A_19 = arith.constant 0 : i32
      %dma_wait3A_20 = tpu.memref_slice %arg6[%mul3A_2, %dma_wait3A_19] : memref<10240x128xf32, #tpu.memory_space<hbm>> -> memref<640x128xf32, #tpu.memory_space<hbm>>
      tpu.wait_dma2 semaphore(%run_scoped3A : memref<!tpu.dma_semaphore, #tpu.memory_space<semaphore_mem>>) src(%dma_wait3A_20 : memref<640x128xf32, #tpu.memory_space<hbm>>) dst(%dma_wait3A_18 : memref<640x128xf32, #tpu.memory_space<vmem_shared>>)
      tpu.yield
    }) : () -> ()
    "tpu.region"() ({
      %run_scoped3A = tpu.sem_alloc : memref<!tpu.dma_semaphore, #tpu.memory_space<semaphore_mem>>
      %dma_start3A = arith.constant 0 : i32
      %dma_start3A_15 = arith.constant 0 : i32
      %dma_start3A_16 = tpu.memref_slice %arg2[%add3A, %dma_start3A, %dma_start3A_15] : memref<32x125x80xi32, #tpu.memory_space<hbm>> -> memref<1x125x80xi32, #tpu.memory_space<hbm>>
      %dma_start3A_17 = tpu.memref_squeeze %dma_start3A_16 : memref<1x125x80xi32, #tpu.memory_space<hbm>> -> memref<125x80xi32, #tpu.memory_space<hbm>>
      %dma_start3A_18 = arith.constant 0 : i32
      %dma_start3A_19 = arith.constant 0 : i32
      %dma_start3A_20 = tpu.memref_slice %arg2[%add3A, %dma_start3A_18, %dma_start3A_19] : memref<32x125x80xi32, #tpu.memory_space<hbm>> -> memref<1x125x80xi32, #tpu.memory_space<hbm>>
      %dma_start3A_21 = tpu.memref_squeeze %dma_start3A_20 : memref<1x125x80xi32, #tpu.memory_space<hbm>> -> memref<125x80xi32, #tpu.memory_space<hbm>>
      tpu.enqueue_dma source(%dma_start3A_21 : memref<125x80xi32, #tpu.memory_space<hbm>>) target(%arg8 : memref<125x80xi32, #tpu.memory_space<vmem>>) target_semaphore(%run_scoped3A : memref<!tpu.dma_semaphore, #tpu.memory_space<semaphore_mem>>)
      %dma_wait3A = arith.constant 0 : i32
      %dma_wait3A_22 = arith.constant 0 : i32
      %dma_wait3A_23 = tpu.memref_slice %arg2[%add3A, %dma_wait3A, %dma_wait3A_22] : memref<32x125x80xi32, #tpu.memory_space<hbm>> -> memref<1x125x80xi32, #tpu.memory_space<hbm>>
      %dma_wait3A_24 = tpu.memref_squeeze %dma_wait3A_23 : memref<1x125x80xi32, #tpu.memory_space<hbm>> -> memref<125x80xi32, #tpu.memory_space<hbm>>
      %dma_wait3A_25 = arith.constant 0 : i32
      %dma_wait3A_26 = arith.constant 0 : i32
      %dma_wait3A_27 = tpu.memref_slice %arg2[%add3A, %dma_wait3A_25, %dma_wait3A_26] : memref<32x125x80xi32, #tpu.memory_space<hbm>> -> memref<1x125x80xi32, #tpu.memory_space<hbm>>
      %dma_wait3A_28 = tpu.memref_squeeze %dma_wait3A_27 : memref<1x125x80xi32, #tpu.memory_space<hbm>> -> memref<125x80xi32, #tpu.memory_space<hbm>>
      tpu.wait_dma2 semaphore(%run_scoped3A : memref<!tpu.dma_semaphore, #tpu.memory_space<semaphore_mem>>) src(%dma_wait3A_28 : memref<125x80xi32, #tpu.memory_space<hbm>>) dst(%arg8 : memref<125x80xi32, #tpu.memory_space<vmem>>)
      tpu.yield
    }) : () -> ()
    %barrier3A = arith.constant 0 : index
    tpu.barrier barrier_id(%barrier3A)
    %scan3A = arith.constant 0 : i32
    %scan3A_5 = arith.constant 0 : i32
    %scan3A_6 = arith.constant 125 : i32
    %scan3A_7 = arith.addi %scan3A_5, %scan3A_6 : i32
    %scan3A_8 = arith.constant 1 : i32
    scf.for %scan3A_15 = %scan3A_5 to %scan3A_7 step %scan3A_8  : i32 {
      "tpu.region"() ({
        %run_scoped3A = tpu.sem_alloc : memref<!tpu.dma_semaphore, #tpu.memory_space<semaphore_mem>>
        %dma_start3A_32 = arith.constant 0 : i32
        %dma_start3A_33 = tpu.memref_slice %arg3[%add3A, %scan3A_15, %dma_start3A_32] : memref<32x125x80xi32, #tpu.memory_space<hbm>> -> memref<1x1x80xi32, #tpu.memory_space<hbm>>
        %dma_start3A_34 = tpu.memref_squeeze %dma_start3A_33 : memref<1x1x80xi32, #tpu.memory_space<hbm>> -> memref<80xi32, #tpu.memory_space<hbm>>
        %dma_start3A_35 = arith.constant 0 : i32
        %dma_start3A_36 = tpu.memref_slice %arg3[%add3A, %scan3A_15, %dma_start3A_35] : memref<32x125x80xi32, #tpu.memory_space<hbm>> -> memref<1x1x80xi32, #tpu.memory_space<hbm>>
        %dma_start3A_37 = tpu.memref_squeeze %dma_start3A_36 : memref<1x1x80xi32, #tpu.memory_space<hbm>> -> memref<80xi32, #tpu.memory_space<hbm>>
        tpu.enqueue_dma source(%dma_start3A_37 : memref<80xi32, #tpu.memory_space<hbm>>) target(%arg9 : memref<80xi32, #tpu.memory_space<vmem>>) target_semaphore(%run_scoped3A : memref<!tpu.dma_semaphore, #tpu.memory_space<semaphore_mem>>)
        %dma_wait3A_38 = arith.constant 0 : i32
        %dma_wait3A_39 = tpu.memref_slice %arg3[%add3A, %scan3A_15, %dma_wait3A_38] : memref<32x125x80xi32, #tpu.memory_space<hbm>> -> memref<1x1x80xi32, #tpu.memory_space<hbm>>
        %dma_wait3A_40 = tpu.memref_squeeze %dma_wait3A_39 : memref<1x1x80xi32, #tpu.memory_space<hbm>> -> memref<80xi32, #tpu.memory_space<hbm>>
        %dma_wait3A_41 = arith.constant 0 : i32
        %dma_wait3A_42 = tpu.memref_slice %arg3[%add3A, %scan3A_15, %dma_wait3A_41] : memref<32x125x80xi32, #tpu.memory_space<hbm>> -> memref<1x1x80xi32, #tpu.memory_space<hbm>>
        %dma_wait3A_43 = tpu.memref_squeeze %dma_wait3A_42 : memref<1x1x80xi32, #tpu.memory_space<hbm>> -> memref<80xi32, #tpu.memory_space<hbm>>
        tpu.wait_dma2 semaphore(%run_scoped3A : memref<!tpu.dma_semaphore, #tpu.memory_space<semaphore_mem>>) src(%dma_wait3A_43 : memref<80xi32, #tpu.memory_space<hbm>>) dst(%arg9 : memref<80xi32, #tpu.memory_space<vmem>>)
        tpu.yield
      }) : () -> ()
      %dma_start3A = arith.constant 0 : i32
      %dma_start3A_16 = tpu.memref_slice %arg8[%scan3A_15, %dma_start3A] : memref<125x80xi32, #tpu.memory_space<vmem>> -> memref<1x80xi32, #tpu.memory_space<vmem>>
      %dma_start3A_17 = tpu.memref_squeeze %dma_start3A_16 : memref<1x80xi32, #tpu.memory_space<vmem>> -> memref<80xi32, #tpu.memory_space<vmem>>
      %dma_start3A_18 = arith.constant 0 : i32
      %dma_start3A_19 = arith.constant 0 : i32
      %dma_start3A_20 = tpu.memref_slice %arg4[%dma_start3A_18, %dma_start3A_19] : memref<10000x128xf32, #tpu.memory_space<hbm>> -> memref<10000x128xf32, #tpu.memory_space<hbm>>
      tpu.enqueue_indirect_dma source(%dma_start3A_20 : memref<10000x128xf32, #tpu.memory_space<hbm>>) target(%arg10 : memref<80x128xf32, #tpu.memory_space<vmem>>) offsets(%dma_start3A_17 : memref<80xi32, #tpu.memory_space<vmem>>) semaphore(%arg13 : memref<!tpu.dma_semaphore, #tpu.memory_space<semaphore_mem>>)
      "tpu.region"() ({
        %run_scoped3A = tpu.sem_alloc : memref<!tpu.dma_semaphore, #tpu.memory_space<semaphore_mem>>
        %dma_start3A_32 = arith.constant 0 : i32
        %dma_start3A_33 = arith.constant 0 : i32
        %dma_start3A_34 = tpu.memref_slice %arg5[%add3A, %scan3A_15, %dma_start3A_32, %dma_start3A_33] : memref<32x125x80x128xf32, #tpu.memory_space<hbm>> -> memref<1x1x80x128xf32, #tpu.memory_space<hbm>>
        %dma_start3A_35 = tpu.memref_squeeze %dma_start3A_34 : memref<1x1x80x128xf32, #tpu.memory_space<hbm>> -> memref<80x128xf32, #tpu.memory_space<hbm>>
        %dma_start3A_36 = arith.constant 0 : i32
        %dma_start3A_37 = arith.constant 0 : i32
        %dma_start3A_38 = tpu.memref_slice %arg5[%add3A, %scan3A_15, %dma_start3A_36, %dma_start3A_37] : memref<32x125x80x128xf32, #tpu.memory_space<hbm>> -> memref<1x1x80x128xf32, #tpu.memory_space<hbm>>
        %dma_start3A_39 = tpu.memref_squeeze %dma_start3A_38 : memref<1x1x80x128xf32, #tpu.memory_space<hbm>> -> memref<80x128xf32, #tpu.memory_space<hbm>>
        tpu.enqueue_dma source(%dma_start3A_39 : memref<80x128xf32, #tpu.memory_space<hbm>>) target(%arg11 : memref<80x128xf32, #tpu.memory_space<vmem>>) target_semaphore(%run_scoped3A : memref<!tpu.dma_semaphore, #tpu.memory_space<semaphore_mem>>)
        %dma_wait3A_40 = arith.constant 0 : i32
        %dma_wait3A_41 = arith.constant 0 : i32
        %dma_wait3A_42 = tpu.memref_slice %arg5[%add3A, %scan3A_15, %dma_wait3A_40, %dma_wait3A_41] : memref<32x125x80x128xf32, #tpu.memory_space<hbm>> -> memref<1x1x80x128xf32, #tpu.memory_space<hbm>>
        %dma_wait3A_43 = tpu.memref_squeeze %dma_wait3A_42 : memref<1x1x80x128xf32, #tpu.memory_space<hbm>> -> memref<80x128xf32, #tpu.memory_space<hbm>>
        %dma_wait3A_44 = arith.constant 0 : i32
        %dma_wait3A_45 = arith.constant 0 : i32
        %dma_wait3A_46 = tpu.memref_slice %arg5[%add3A, %scan3A_15, %dma_wait3A_44, %dma_wait3A_45] : memref<32x125x80x128xf32, #tpu.memory_space<hbm>> -> memref<1x1x80x128xf32, #tpu.memory_space<hbm>>
        %dma_wait3A_47 = tpu.memref_squeeze %dma_wait3A_46 : memref<1x1x80x128xf32, #tpu.memory_space<hbm>> -> memref<80x128xf32, #tpu.memory_space<hbm>>
        tpu.wait_dma2 semaphore(%run_scoped3A : memref<!tpu.dma_semaphore, #tpu.memory_space<semaphore_mem>>) src(%dma_wait3A_47 : memref<80x128xf32, #tpu.memory_space<hbm>>) dst(%arg11 : memref<80x128xf32, #tpu.memory_space<vmem>>)
        tpu.yield
      }) : () -> ()
      %dma_wait3A = arith.constant 0 : i32
      %dma_wait3A_21 = tpu.memref_slice %arg8[%scan3A_15, %dma_wait3A] : memref<125x80xi32, #tpu.memory_space<vmem>> -> memref<1x80xi32, #tpu.memory_space<vmem>>
      %dma_wait3A_22 = tpu.memref_squeeze %dma_wait3A_21 : memref<1x80xi32, #tpu.memory_space<vmem>> -> memref<80xi32, #tpu.memory_space<vmem>>
      %dma_wait3A_23 = arith.constant 0 : i32
      %dma_wait3A_24 = arith.constant 0 : i32
      %dma_wait3A_25 = tpu.memref_slice %arg4[%dma_wait3A_23, %dma_wait3A_24] : memref<10000x128xf32, #tpu.memory_space<hbm>> -> memref<10000x128xf32, #tpu.memory_space<hbm>>
      tpu.wait_indirect_dma semaphore(%arg13 : memref<!tpu.dma_semaphore, #tpu.memory_space<semaphore_mem>>) src(%dma_wait3A_25 : memref<10000x128xf32, #tpu.memory_space<hbm>>) dst(%arg10 : memref<80x128xf32, #tpu.memory_space<vmem>>)
      %scan3A_26 = arith.constant 0 : i32
      %scan3A_27 = arith.constant 0 : i32
      %scan3A_28 = arith.constant 80 : i32
      %scan3A_29 = arith.addi %scan3A_27, %scan3A_28 : i32
      %scan3A_30 = arith.constant 2 : i32
      scf.for %scan3A_32 = %scan3A_27 to %scan3A_29 step %scan3A_30  : i32 {
        %get3A = arith.index_cast %scan3A_32 : i32 to index
        %get3A_33 = arith.constant 0 : index
        %get3A_34 = tpu.vector_load %arg10[%get3A, %get3A_33] {strides = array<i32>} : memref<80x128xf32, #tpu.memory_space<vmem>>, vector<1x16xf32>,
        %get3A_35 = vector.shape_cast %get3A_34 : vector<1x16xf32> to vector<16xf32>
        %get3A_36 = arith.index_cast %scan3A_32 : i32 to index
        %get3A_37 = arith.constant 0 : index
        %get3A_38 = tpu.vector_load %arg11[%get3A_36, %get3A_37] {strides = array<i32>} : memref<80x128xf32, #tpu.memory_space<vmem>>, vector<1x16xf32>,
        %get3A_39 = vector.shape_cast %get3A_38 : vector<1x16xf32> to vector<16xf32>
        %add3A_40 = arith.addf %get3A_35, %get3A_39 : vector<16xf32>
        %max3A = arith.constant 0.000000e+00 : f32
        %max3A_41 = vector.broadcast %max3A : f32 to vector<16xf32>
        %max3A_42 = arith.maximumf %add3A_40, %max3A_41 : vector<16xf32>
        %swap3A = arith.index_cast %scan3A_32 : i32 to index
        %swap3A_43 = arith.constant 0 : index
        %swap3A_44 = tpu.vector_load %arg10[%swap3A, %swap3A_43] {strides = array<i32>} : memref<80x128xf32, #tpu.memory_space<vmem>>, vector<1x16xf32>,
        %swap3A_45 = vector.shape_cast %swap3A_44 : vector<1x16xf32> to vector<16xf32>
        %swap3A_46 = vector.shape_cast %max3A_42 : vector<16xf32> to vector<1x16xf32>
        tpu.vector_store %arg10[%swap3A, %swap3A_43], %swap3A_46 {strides = array<i32>} : memref<80x128xf32, #tpu.memory_space<vmem>>, vector<1x16xf32>,
        %get3A_47 = arith.index_cast %scan3A_32 : i32 to index
        %get3A_48 = arith.constant 16 : index
        %get3A_49 = tpu.vector_load %arg10[%get3A_47, %get3A_48] {strides = array<i32>} : memref<80x128xf32, #tpu.memory_space<vmem>>, vector<1x16xf32>,
        %get3A_50 = vector.shape_cast %get3A_49 : vector<1x16xf32> to vector<16xf32>
        %get3A_51 = arith.index_cast %scan3A_32 : i32 to index
        %get3A_52 = arith.constant 16 : index
        %get3A_53 = tpu.vector_load %arg11[%get3A_51, %get3A_52] {strides = array<i32>} : memref<80x128xf32, #tpu.memory_space<vmem>>, vector<1x16xf32>,
        %get3A_54 = vector.shape_cast %get3A_53 : vector<1x16xf32> to vector<16xf32>
        %add3A_55 = arith.addf %get3A_50, %get3A_54 : vector<16xf32>
        %max3A_56 = arith.constant 0.000000e+00 : f32
        %max3A_57 = vector.broadcast %max3A_56 : f32 to vector<16xf32>
        %max3A_58 = arith.maximumf %add3A_55, %max3A_57 : vector<16xf32>
        %swap3A_59 = arith.index_cast %scan3A_32 : i32 to index
        %swap3A_60 = arith.constant 16 : index
        %swap3A_61 = tpu.vector_load %arg10[%swap3A_59, %swap3A_60] {strides = array<i32>} : memref<80x128xf32, #tpu.memory_space<vmem>>, vector<1x16xf32>,
        %swap3A_62 = vector.shape_cast %swap3A_61 : vector<1x16xf32> to vector<16xf32>
        %swap3A_63 = vector.shape_cast %max3A_58 : vector<16xf32> to vector<1x16xf32>
        tpu.vector_store %arg10[%swap3A_59, %swap3A_60], %swap3A_63 {strides = array<i32>} : memref<80x128xf32, #tpu.memory_space<vmem>>, vector<1x16xf32>,
        %get3A_64 = arith.index_cast %scan3A_32 : i32 to index
        %get3A_65 = arith.constant 32 : index
        %get3A_66 = tpu.vector_load %arg10[%get3A_64, %get3A_65] {strides = array<i32>} : memref<80x128xf32, #tpu.memory_space<vmem>>, vector<1x16xf32>,
        %get3A_67 = vector.shape_cast %get3A_66 : vector<1x16xf32> to vector<16xf32>
        %get3A_68 = arith.index_cast %scan3A_32 : i32 to index
        %get3A_69 = arith.constant 32 : index
        %get3A_70 = tpu.vector_load %arg11[%get3A_68, %get3A_69] {strides = array<i32>} : memref<80x128xf32, #tpu.memory_space<vmem>>, vector<1x16xf32>,
        %get3A_71 = vector.shape_cast %get3A_70 : vector<1x16xf32> to vector<16xf32>
        %add3A_72 = arith.addf %get3A_67, %get3A_71 : vector<16xf32>
        %max3A_73 = arith.constant 0.000000e+00 : f32
        %max3A_74 = vector.broadcast %max3A_73 : f32 to vector<16xf32>
        %max3A_75 = arith.maximumf %add3A_72, %max3A_74 : vector<16xf32>
        %swap3A_76 = arith.index_cast %scan3A_32 : i32 to index
        %swap3A_77 = arith.constant 32 : index
        %swap3A_78 = tpu.vector_load %arg10[%swap3A_76, %swap3A_77] {strides = array<i32>} : memref<80x128xf32, #tpu.memory_space<vmem>>, vector<1x16xf32>,
        %swap3A_79 = vector.shape_cast %swap3A_78 : vector<1x16xf32> to vector<16xf32>
        %swap3A_80 = vector.shape_cast %max3A_75 : vector<16xf32> to vector<1x16xf32>
        tpu.vector_store %arg10[%swap3A_76, %swap3A_77], %swap3A_80 {strides = array<i32>} : memref<80x128xf32, #tpu.memory_space<vmem>>, vector<1x16xf32>,
        %get3A_81 = arith.index_cast %scan3A_32 : i32 to index
        %get3A_82 = arith.constant 48 : index
        %get3A_83 = tpu.vector_load %arg10[%get3A_81, %get3A_82] {strides = array<i32>} : memref<80x128xf32, #tpu.memory_space<vmem>>, vector<1x16xf32>,
        %get3A_84 = vector.shape_cast %get3A_83 : vector<1x16xf32> to vector<16xf32>
        %get3A_85 = arith.index_cast %scan3A_32 : i32 to index
        %get3A_86 = arith.constant 48 : index
        %get3A_87 = tpu.vector_load %arg11[%get3A_85, %get3A_86] {strides = array<i32>} : memref<80x128xf32, #tpu.memory_space<vmem>>, vector<1x16xf32>,
        %get3A_88 = vector.shape_cast %get3A_87 : vector<1x16xf32> to vector<16xf32>
        %add3A_89 = arith.addf %get3A_84, %get3A_88 : vector<16xf32>
        %max3A_90 = arith.constant 0.000000e+00 : f32
        %max3A_91 = vector.broadcast %max3A_90 : f32 to vector<16xf32>
        %max3A_92 = arith.maximumf %add3A_89, %max3A_91 : vector<16xf32>
        %swap3A_93 = arith.index_cast %scan3A_32 : i32 to index
        %swap3A_94 = arith.constant 48 : index
        %swap3A_95 = tpu.vector_load %arg10[%swap3A_93, %swap3A_94] {strides = array<i32>} : memref<80x128xf32, #tpu.memory_space<vmem>>, vector<1x16xf32>,
        %swap3A_96 = vector.shape_cast %swap3A_95 : vector<1x16xf32> to vector<16xf32>
        %swap3A_97 = vector.shape_cast %max3A_92 : vector<16xf32> to vector<1x16xf32>
        tpu.vector_store %arg10[%swap3A_93, %swap3A_94], %swap3A_97 {strides = array<i32>} : memref<80x128xf32, #tpu.memory_space<vmem>>, vector<1x16xf32>,
        %get3A_98 = arith.index_cast %scan3A_32 : i32 to index
        %get3A_99 = arith.constant 64 : index
        %get3A_100 = tpu.vector_load %arg10[%get3A_98, %get3A_99] {strides = array<i32>} : memref<80x128xf32, #tpu.memory_space<vmem>>, vector<1x16xf32>,
        %get3A_101 = vector.shape_cast %get3A_100 : vector<1x16xf32> to vector<16xf32>
        %get3A_102 = arith.index_cast %scan3A_32 : i32 to index
        %get3A_103 = arith.constant 64 : index
        %get3A_104 = tpu.vector_load %arg11[%get3A_102, %get3A_103] {strides = array<i32>} : memref<80x128xf32, #tpu.memory_space<vmem>>, vector<1x16xf32>,
        %get3A_105 = vector.shape_cast %get3A_104 : vector<1x16xf32> to vector<16xf32>
        %add3A_106 = arith.addf %get3A_101, %get3A_105 : vector<16xf32>
        %max3A_107 = arith.constant 0.000000e+00 : f32
        %max3A_108 = vector.broadcast %max3A_107 : f32 to vector<16xf32>
        %max3A_109 = arith.maximumf %add3A_106, %max3A_108 : vector<16xf32>
        %swap3A_110 = arith.index_cast %scan3A_32 : i32 to index
        %swap3A_111 = arith.constant 64 : index
        %swap3A_112 = tpu.vector_load %arg10[%swap3A_110, %swap3A_111] {strides = array<i32>} : memref<80x128xf32, #tpu.memory_space<vmem>>, vector<1x16xf32>,
        %swap3A_113 = vector.shape_cast %swap3A_112 : vector<1x16xf32> to vector<16xf32>
        %swap3A_114 = vector.shape_cast %max3A_109 : vector<16xf32> to vector<1x16xf32>
        tpu.vector_store %arg10[%swap3A_110, %swap3A_111], %swap3A_114 {strides = array<i32>} : memref<80x128xf32, #tpu.memory_space<vmem>>, vector<1x16xf32>,
        %get3A_115 = arith.index_cast %scan3A_32 : i32 to index
        %get3A_116 = arith.constant 80 : index
        %get3A_117 = tpu.vector_load %arg10[%get3A_115, %get3A_116] {strides = array<i32>} : memref<80x128xf32, #tpu.memory_space<vmem>>, vector<1x16xf32>,
        %get3A_118 = vector.shape_cast %get3A_117 : vector<1x16xf32> to vector<16xf32>
        %get3A_119 = arith.index_cast %scan3A_32 : i32 to index
        %get3A_120 = arith.constant 80 : index
        %get3A_121 = tpu.vector_load %arg11[%get3A_119, %get3A_120] {strides = array<i32>} : memref<80x128xf32, #tpu.memory_space<vmem>>, vector<1x16xf32>,
        %get3A_122 = vector.shape_cast %get3A_121 : vector<1x16xf32> to vector<16xf32>
        %add3A_123 = arith.addf %get3A_118, %get3A_122 : vector<16xf32>
        %max3A_124 = arith.constant 0.000000e+00 : f32
        %max3A_125 = vector.broadcast %max3A_124 : f32 to vector<16xf32>
        %max3A_126 = arith.maximumf %add3A_123, %max3A_125 : vector<16xf32>
        %swap3A_127 = arith.index_cast %scan3A_32 : i32 to index
        %swap3A_128 = arith.constant 80 : index
        %swap3A_129 = tpu.vector_load %arg10[%swap3A_127, %swap3A_128] {strides = array<i32>} : memref<80x128xf32, #tpu.memory_space<vmem>>, vector<1x16xf32>,
        %swap3A_130 = vector.shape_cast %swap3A_129 : vector<1x16xf32> to vector<16xf32>
        %swap3A_131 = vector.shape_cast %max3A_126 : vector<16xf32> to vector<1x16xf32>
        tpu.vector_store %arg10[%swap3A_127, %swap3A_128], %swap3A_131 {strides = array<i32>} : memref<80x128xf32, #tpu.memory_space<vmem>>, vector<1x16xf32>,
        %get3A_132 = arith.index_cast %scan3A_32 : i32 to index
        %get3A_133 = arith.constant 96 : index
        %get3A_134 = tpu.vector_load %arg10[%get3A_132, %get3A_133] {strides = array<i32>} : memref<80x128xf32, #tpu.memory_space<vmem>>, vector<1x16xf32>,
        %get3A_135 = vector.shape_cast %get3A_134 : vector<1x16xf32> to vector<16xf32>
        %get3A_136 = arith.index_cast %scan3A_32 : i32 to index
        %get3A_137 = arith.constant 96 : index
        %get3A_138 = tpu.vector_load %arg11[%get3A_136, %get3A_137] {strides = array<i32>} : memref<80x128xf32, #tpu.memory_space<vmem>>, vector<1x16xf32>,
        %get3A_139 = vector.shape_cast %get3A_138 : vector<1x16xf32> to vector<16xf32>
        %add3A_140 = arith.addf %get3A_135, %get3A_139 : vector<16xf32>
        %max3A_141 = arith.constant 0.000000e+00 : f32
        %max3A_142 = vector.broadcast %max3A_141 : f32 to vector<16xf32>
        %max3A_143 = arith.maximumf %add3A_140, %max3A_142 : vector<16xf32>
        %swap3A_144 = arith.index_cast %scan3A_32 : i32 to index
        %swap3A_145 = arith.constant 96 : index
        %swap3A_146 = tpu.vector_load %arg10[%swap3A_144, %swap3A_145] {strides = array<i32>} : memref<80x128xf32, #tpu.memory_space<vmem>>, vector<1x16xf32>,
        %swap3A_147 = vector.shape_cast %swap3A_146 : vector<1x16xf32> to vector<16xf32>
        %swap3A_148 = vector.shape_cast %max3A_143 : vector<16xf32> to vector<1x16xf32>
        tpu.vector_store %arg10[%swap3A_144, %swap3A_145], %swap3A_148 {strides = array<i32>} : memref<80x128xf32, #tpu.memory_space<vmem>>, vector<1x16xf32>,
        %get3A_149 = arith.index_cast %scan3A_32 : i32 to index
        %get3A_150 = arith.constant 112 : index
        %get3A_151 = tpu.vector_load %arg10[%get3A_149, %get3A_150] {strides = array<i32>} : memref<80x128xf32, #tpu.memory_space<vmem>>, vector<1x16xf32>,
        %get3A_152 = vector.shape_cast %get3A_151 : vector<1x16xf32> to vector<16xf32>
        %get3A_153 = arith.index_cast %scan3A_32 : i32 to index
        %get3A_154 = arith.constant 112 : index
        %get3A_155 = tpu.vector_load %arg11[%get3A_153, %get3A_154] {strides = array<i32>} : memref<80x128xf32, #tpu.memory_space<vmem>>, vector<1x16xf32>,
        %get3A_156 = vector.shape_cast %get3A_155 : vector<1x16xf32> to vector<16xf32>
        %add3A_157 = arith.addf %get3A_152, %get3A_156 : vector<16xf32>
        %max3A_158 = arith.constant 0.000000e+00 : f32
        %max3A_159 = vector.broadcast %max3A_158 : f32 to vector<16xf32>
        %max3A_160 = arith.maximumf %add3A_157, %max3A_159 : vector<16xf32>
        %swap3A_161 = arith.index_cast %scan3A_32 : i32 to index
        %swap3A_162 = arith.constant 112 : index
        %swap3A_163 = tpu.vector_load %arg10[%swap3A_161, %swap3A_162] {strides = array<i32>} : memref<80x128xf32, #tpu.memory_space<vmem>>, vector<1x16xf32>,
        %swap3A_164 = vector.shape_cast %swap3A_163 : vector<1x16xf32> to vector<16xf32>
        %swap3A_165 = vector.shape_cast %max3A_160 : vector<16xf32> to vector<1x16xf32>
        tpu.vector_store %arg10[%swap3A_161, %swap3A_162], %swap3A_165 {strides = array<i32>} : memref<80x128xf32, #tpu.memory_space<vmem>>, vector<1x16xf32>,
        %scan3A_166 = arith.constant 1 : i32
        %scan3A_167 = arith.addi %scan3A_32, %scan3A_166 : i32
        %get3A_168 = arith.index_cast %scan3A_167 : i32 to index
        %get3A_169 = arith.constant 0 : index
        %get3A_170 = tpu.vector_load %arg10[%get3A_168, %get3A_169] {strides = array<i32>} : memref<80x128xf32, #tpu.memory_space<vmem>>, vector<1x16xf32>,
        %get3A_171 = vector.shape_cast %get3A_170 : vector<1x16xf32> to vector<16xf32>
        %get3A_172 = arith.index_cast %scan3A_167 : i32 to index
        %get3A_173 = arith.constant 0 : index
        %get3A_174 = tpu.vector_load %arg11[%get3A_172, %get3A_173] {strides = array<i32>} : memref<80x128xf32, #tpu.memory_space<vmem>>, vector<1x16xf32>,
        %get3A_175 = vector.shape_cast %get3A_174 : vector<1x16xf32> to vector<16xf32>
        %add3A_176 = arith.addf %get3A_171, %get3A_175 : vector<16xf32>
        %max3A_177 = arith.constant 0.000000e+00 : f32
        %max3A_178 = vector.broadcast %max3A_177 : f32 to vector<16xf32>
        %max3A_179 = arith.maximumf %add3A_176, %max3A_178 : vector<16xf32>
        %swap3A_180 = arith.index_cast %scan3A_167 : i32 to index
        %swap3A_181 = arith.constant 0 : index
        %swap3A_182 = tpu.vector_load %arg10[%swap3A_180, %swap3A_181] {strides = array<i32>} : memref<80x128xf32, #tpu.memory_space<vmem>>, vector<1x16xf32>,
        %swap3A_183 = vector.shape_cast %swap3A_182 : vector<1x16xf32> to vector<16xf32>
        %swap3A_184 = vector.shape_cast %max3A_179 : vector<16xf32> to vector<1x16xf32>
        tpu.vector_store %arg10[%swap3A_180, %swap3A_181], %swap3A_184 {strides = array<i32>} : memref<80x128xf32, #tpu.memory_space<vmem>>, vector<1x16xf32>,
        %get3A_185 = arith.index_cast %scan3A_167 : i32 to index
        %get3A_186 = arith.constant 16 : index
        %get3A_187 = tpu.vector_load %arg10[%get3A_185, %get3A_186] {strides = array<i32>} : memref<80x128xf32, #tpu.memory_space<vmem>>, vector<1x16xf32>,
        %get3A_188 = vector.shape_cast %get3A_187 : vector<1x16xf32> to vector<16xf32>
        %get3A_189 = arith.index_cast %scan3A_167 : i32 to index
        %get3A_190 = arith.constant 16 : index
        %get3A_191 = tpu.vector_load %arg11[%get3A_189, %get3A_190] {strides = array<i32>} : memref<80x128xf32, #tpu.memory_space<vmem>>, vector<1x16xf32>,
        %get3A_192 = vector.shape_cast %get3A_191 : vector<1x16xf32> to vector<16xf32>
        %add3A_193 = arith.addf %get3A_188, %get3A_192 : vector<16xf32>
        %max3A_194 = arith.constant 0.000000e+00 : f32
        %max3A_195 = vector.broadcast %max3A_194 : f32 to vector<16xf32>
        %max3A_196 = arith.maximumf %add3A_193, %max3A_195 : vector<16xf32>
        %swap3A_197 = arith.index_cast %scan3A_167 : i32 to index
        %swap3A_198 = arith.constant 16 : index
        %swap3A_199 = tpu.vector_load %arg10[%swap3A_197, %swap3A_198] {strides = array<i32>} : memref<80x128xf32, #tpu.memory_space<vmem>>, vector<1x16xf32>,
        %swap3A_200 = vector.shape_cast %swap3A_199 : vector<1x16xf32> to vector<16xf32>
        %swap3A_201 = vector.shape_cast %max3A_196 : vector<16xf32> to vector<1x16xf32>
        tpu.vector_store %arg10[%swap3A_197, %swap3A_198], %swap3A_201 {strides = array<i32>} : memref<80x128xf32, #tpu.memory_space<vmem>>, vector<1x16xf32>,
        %get3A_202 = arith.index_cast %scan3A_167 : i32 to index
        %get3A_203 = arith.constant 32 : index
        %get3A_204 = tpu.vector_load %arg10[%get3A_202, %get3A_203] {strides = array<i32>} : memref<80x128xf32, #tpu.memory_space<vmem>>, vector<1x16xf32>,
        %get3A_205 = vector.shape_cast %get3A_204 : vector<1x16xf32> to vector<16xf32>
        %get3A_206 = arith.index_cast %scan3A_167 : i32 to index
        %get3A_207 = arith.constant 32 : index
        %get3A_208 = tpu.vector_load %arg11[%get3A_206, %get3A_207] {strides = array<i32>} : memref<80x128xf32, #tpu.memory_space<vmem>>, vector<1x16xf32>,
        %get3A_209 = vector.shape_cast %get3A_208 : vector<1x16xf32> to vector<16xf32>
        %add3A_210 = arith.addf %get3A_205, %get3A_209 : vector<16xf32>
        %max3A_211 = arith.constant 0.000000e+00 : f32
        %max3A_212 = vector.broadcast %max3A_211 : f32 to vector<16xf32>
        %max3A_213 = arith.maximumf %add3A_210, %max3A_212 : vector<16xf32>
        %swap3A_214 = arith.index_cast %scan3A_167 : i32 to index
        %swap3A_215 = arith.constant 32 : index
        %swap3A_216 = tpu.vector_load %arg10[%swap3A_214, %swap3A_215] {strides = array<i32>} : memref<80x128xf32, #tpu.memory_space<vmem>>, vector<1x16xf32>,
        %swap3A_217 = vector.shape_cast %swap3A_216 : vector<1x16xf32> to vector<16xf32>
        %swap3A_218 = vector.shape_cast %max3A_213 : vector<16xf32> to vector<1x16xf32>
        tpu.vector_store %arg10[%swap3A_214, %swap3A_215], %swap3A_218 {strides = array<i32>} : memref<80x128xf32, #tpu.memory_space<vmem>>, vector<1x16xf32>,
        %get3A_219 = arith.index_cast %scan3A_167 : i32 to index
        %get3A_220 = arith.constant 48 : index
        %get3A_221 = tpu.vector_load %arg10[%get3A_219, %get3A_220] {strides = array<i32>} : memref<80x128xf32, #tpu.memory_space<vmem>>, vector<1x16xf32>,
        %get3A_222 = vector.shape_cast %get3A_221 : vector<1x16xf32> to vector<16xf32>
        %get3A_223 = arith.index_cast %scan3A_167 : i32 to index
        %get3A_224 = arith.constant 48 : index
        %get3A_225 = tpu.vector_load %arg11[%get3A_223, %get3A_224] {strides = array<i32>} : memref<80x128xf32, #tpu.memory_space<vmem>>, vector<1x16xf32>,
        %get3A_226 = vector.shape_cast %get3A_225 : vector<1x16xf32> to vector<16xf32>
        %add3A_227 = arith.addf %get3A_222, %get3A_226 : vector<16xf32>
        %max3A_228 = arith.constant 0.000000e+00 : f32
        %max3A_229 = vector.broadcast %max3A_228 : f32 to vector<16xf32>
        %max3A_230 = arith.maximumf %add3A_227, %max3A_229 : vector<16xf32>
        %swap3A_231 = arith.index_cast %scan3A_167 : i32 to index
        %swap3A_232 = arith.constant 48 : index
        %swap3A_233 = tpu.vector_load %arg10[%swap3A_231, %swap3A_232] {strides = array<i32>} : memref<80x128xf32, #tpu.memory_space<vmem>>, vector<1x16xf32>,
        %swap3A_234 = vector.shape_cast %swap3A_233 : vector<1x16xf32> to vector<16xf32>
        %swap3A_235 = vector.shape_cast %max3A_230 : vector<16xf32> to vector<1x16xf32>
        tpu.vector_store %arg10[%swap3A_231, %swap3A_232], %swap3A_235 {strides = array<i32>} : memref<80x128xf32, #tpu.memory_space<vmem>>, vector<1x16xf32>,
        %get3A_236 = arith.index_cast %scan3A_167 : i32 to index
        %get3A_237 = arith.constant 64 : index
        %get3A_238 = tpu.vector_load %arg10[%get3A_236, %get3A_237] {strides = array<i32>} : memref<80x128xf32, #tpu.memory_space<vmem>>, vector<1x16xf32>,
        %get3A_239 = vector.shape_cast %get3A_238 : vector<1x16xf32> to vector<16xf32>
        %get3A_240 = arith.index_cast %scan3A_167 : i32 to index
        %get3A_241 = arith.constant 64 : index
        %get3A_242 = tpu.vector_load %arg11[%get3A_240, %get3A_241] {strides = array<i32>} : memref<80x128xf32, #tpu.memory_space<vmem>>, vector<1x16xf32>,
        %get3A_243 = vector.shape_cast %get3A_242 : vector<1x16xf32> to vector<16xf32>
        %add3A_244 = arith.addf %get3A_239, %get3A_243 : vector<16xf32>
        %max3A_245 = arith.constant 0.000000e+00 : f32
        %max3A_246 = vector.broadcast %max3A_245 : f32 to vector<16xf32>
        %max3A_247 = arith.maximumf %add3A_244, %max3A_246 : vector<16xf32>
        %swap3A_248 = arith.index_cast %scan3A_167 : i32 to index
        %swap3A_249 = arith.constant 64 : index
        %swap3A_250 = tpu.vector_load %arg10[%swap3A_248, %swap3A_249] {strides = array<i32>} : memref<80x128xf32, #tpu.memory_space<vmem>>, vector<1x16xf32>,
        %swap3A_251 = vector.shape_cast %swap3A_250 : vector<1x16xf32> to vector<16xf32>
        %swap3A_252 = vector.shape_cast %max3A_247 : vector<16xf32> to vector<1x16xf32>
        tpu.vector_store %arg10[%swap3A_248, %swap3A_249], %swap3A_252 {strides = array<i32>} : memref<80x128xf32, #tpu.memory_space<vmem>>, vector<1x16xf32>,
        %get3A_253 = arith.index_cast %scan3A_167 : i32 to index
        %get3A_254 = arith.constant 80 : index
        %get3A_255 = tpu.vector_load %arg10[%get3A_253, %get3A_254] {strides = array<i32>} : memref<80x128xf32, #tpu.memory_space<vmem>>, vector<1x16xf32>,
        %get3A_256 = vector.shape_cast %get3A_255 : vector<1x16xf32> to vector<16xf32>
        %get3A_257 = arith.index_cast %scan3A_167 : i32 to index
        %get3A_258 = arith.constant 80 : index
        %get3A_259 = tpu.vector_load %arg11[%get3A_257, %get3A_258] {strides = array<i32>} : memref<80x128xf32, #tpu.memory_space<vmem>>, vector<1x16xf32>,
        %get3A_260 = vector.shape_cast %get3A_259 : vector<1x16xf32> to vector<16xf32>
        %add3A_261 = arith.addf %get3A_256, %get3A_260 : vector<16xf32>
        %max3A_262 = arith.constant 0.000000e+00 : f32
        %max3A_263 = vector.broadcast %max3A_262 : f32 to vector<16xf32>
        %max3A_264 = arith.maximumf %add3A_261, %max3A_263 : vector<16xf32>
        %swap3A_265 = arith.index_cast %scan3A_167 : i32 to index
        %swap3A_266 = arith.constant 80 : index
        %swap3A_267 = tpu.vector_load %arg10[%swap3A_265, %swap3A_266] {strides = array<i32>} : memref<80x128xf32, #tpu.memory_space<vmem>>, vector<1x16xf32>,
        %swap3A_268 = vector.shape_cast %swap3A_267 : vector<1x16xf32> to vector<16xf32>
        %swap3A_269 = vector.shape_cast %max3A_264 : vector<16xf32> to vector<1x16xf32>
        tpu.vector_store %arg10[%swap3A_265, %swap3A_266], %swap3A_269 {strides = array<i32>} : memref<80x128xf32, #tpu.memory_space<vmem>>, vector<1x16xf32>,
        %get3A_270 = arith.index_cast %scan3A_167 : i32 to index
        %get3A_271 = arith.constant 96 : index
        %get3A_272 = tpu.vector_load %arg10[%get3A_270, %get3A_271] {strides = array<i32>} : memref<80x128xf32, #tpu.memory_space<vmem>>, vector<1x16xf32>,
        %get3A_273 = vector.shape_cast %get3A_272 : vector<1x16xf32> to vector<16xf32>
        %get3A_274 = arith.index_cast %scan3A_167 : i32 to index
        %get3A_275 = arith.constant 96 : index
        %get3A_276 = tpu.vector_load %arg11[%get3A_274, %get3A_275] {strides = array<i32>} : memref<80x128xf32, #tpu.memory_space<vmem>>, vector<1x16xf32>,
        %get3A_277 = vector.shape_cast %get3A_276 : vector<1x16xf32> to vector<16xf32>
        %add3A_278 = arith.addf %get3A_273, %get3A_277 : vector<16xf32>
        %max3A_279 = arith.constant 0.000000e+00 : f32
        %max3A_280 = vector.broadcast %max3A_279 : f32 to vector<16xf32>
        %max3A_281 = arith.maximumf %add3A_278, %max3A_280 : vector<16xf32>
        %swap3A_282 = arith.index_cast %scan3A_167 : i32 to index
        %swap3A_283 = arith.constant 96 : index
        %swap3A_284 = tpu.vector_load %arg10[%swap3A_282, %swap3A_283] {strides = array<i32>} : memref<80x128xf32, #tpu.memory_space<vmem>>, vector<1x16xf32>,
        %swap3A_285 = vector.shape_cast %swap3A_284 : vector<1x16xf32> to vector<16xf32>
        %swap3A_286 = vector.shape_cast %max3A_281 : vector<16xf32> to vector<1x16xf32>
        tpu.vector_store %arg10[%swap3A_282, %swap3A_283], %swap3A_286 {strides = array<i32>} : memref<80x128xf32, #tpu.memory_space<vmem>>, vector<1x16xf32>,
        %get3A_287 = arith.index_cast %scan3A_167 : i32 to index
        %get3A_288 = arith.constant 112 : index
        %get3A_289 = tpu.vector_load %arg10[%get3A_287, %get3A_288] {strides = array<i32>} : memref<80x128xf32, #tpu.memory_space<vmem>>, vector<1x16xf32>,
        %get3A_290 = vector.shape_cast %get3A_289 : vector<1x16xf32> to vector<16xf32>
        %get3A_291 = arith.index_cast %scan3A_167 : i32 to index
        %get3A_292 = arith.constant 112 : index
        %get3A_293 = tpu.vector_load %arg11[%get3A_291, %get3A_292] {strides = array<i32>} : memref<80x128xf32, #tpu.memory_space<vmem>>, vector<1x16xf32>,
        %get3A_294 = vector.shape_cast %get3A_293 : vector<1x16xf32> to vector<16xf32>
        %add3A_295 = arith.addf %get3A_290, %get3A_294 : vector<16xf32>
        %max3A_296 = arith.constant 0.000000e+00 : f32
        %max3A_297 = vector.broadcast %max3A_296 : f32 to vector<16xf32>
        %max3A_298 = arith.maximumf %add3A_295, %max3A_297 : vector<16xf32>
        %swap3A_299 = arith.index_cast %scan3A_167 : i32 to index
        %swap3A_300 = arith.constant 112 : index
        %swap3A_301 = tpu.vector_load %arg10[%swap3A_299, %swap3A_300] {strides = array<i32>} : memref<80x128xf32, #tpu.memory_space<vmem>>, vector<1x16xf32>,
        %swap3A_302 = vector.shape_cast %swap3A_301 : vector<1x16xf32> to vector<16xf32>
        %swap3A_303 = vector.shape_cast %max3A_298 : vector<16xf32> to vector<1x16xf32>
        tpu.vector_store %arg10[%swap3A_299, %swap3A_300], %swap3A_303 {strides = array<i32>} : memref<80x128xf32, #tpu.memory_space<vmem>>, vector<1x16xf32>,
      }
      %scan3A_31 = arith.constant 80 : i32
      "tpu.region"() ({
        %run_scoped3A = tpu.sem_alloc : memref<!tpu.dma_semaphore, #tpu.memory_space<semaphore_mem>>
        %dma_start3A_32 = arith.constant 0 : i32
        %dma_start3A_33 = arith.constant 0 : i32
        %dma_start3A_34 = tpu.memref_slice %arg12[%dma_start3A_32, %dma_start3A_33] : memref<10240x128xf32, #tpu.memory_space<vmem_shared>> -> memref<10240x128xf32, #tpu.memory_space<vmem_shared>>
        tpu.enqueue_indirect_dma source(%arg10 : memref<80x128xf32, #tpu.memory_space<vmem>>) target(%dma_start3A_34 : memref<10240x128xf32, #tpu.memory_space<vmem_shared>>) offsets(%arg9 : memref<80xi32, #tpu.memory_space<vmem>>) semaphore(%run_scoped3A : memref<!tpu.dma_semaphore, #tpu.memory_space<semaphore_mem>>) {add = true}
        %dma_wait3A_35 = arith.constant 0 : i32
        %dma_wait3A_36 = arith.constant 0 : i32
        %dma_wait3A_37 = tpu.memref_slice %arg12[%dma_wait3A_35, %dma_wait3A_36] : memref<10240x128xf32, #tpu.memory_space<vmem_shared>> -> memref<10240x128xf32, #tpu.memory_space<vmem_shared>>
        tpu.wait_indirect_dma semaphore(%run_scoped3A : memref<!tpu.dma_semaphore, #tpu.memory_space<semaphore_mem>>) src(%arg10 : memref<80x128xf32, #tpu.memory_space<vmem>>) dst(%dma_wait3A_37 : memref<10240x128xf32, #tpu.memory_space<vmem_shared>>)
        tpu.yield
      }) : () -> ()
    }
    %scan3A_9 = arith.constant 125 : i32
    %barrier3A_10 = arith.constant 0 : index
    tpu.barrier barrier_id(%barrier3A_10)
    %mul3A_11 = arith.constant 640 : i32
    %mul3A_12 = arith.muli %arg1, %mul3A_11 : i32
    %mul3A_13 = arith.constant 640 : i32
    %mul3A_14 = arith.muli %arg1, %mul3A_13 : i32
    "tpu.region"() ({
      %run_scoped3A = tpu.sem_alloc : memref<!tpu.dma_semaphore, #tpu.memory_space<semaphore_mem>>
      %dma_start3A = arith.constant 0 : i32
      %dma_start3A_15 = tpu.memref_slice %arg7[%arg0, %mul3A_14, %dma_start3A] : memref<2x10240x128xf32, #tpu.memory_space<hbm>> -> memref<1x640x128xf32, #tpu.memory_space<hbm>>
      %dma_start3A_16 = tpu.memref_squeeze %dma_start3A_15 : memref<1x640x128xf32, #tpu.memory_space<hbm>> -> memref<640x128xf32, #tpu.memory_space<hbm>>
      %dma_start3A_17 = arith.constant 0 : i32
      %dma_start3A_18 = tpu.memref_slice %arg12[%mul3A_12, %dma_start3A_17] : memref<10240x128xf32, #tpu.memory_space<vmem_shared>> -> memref<640x128xf32, #tpu.memory_space<vmem_shared>>
      tpu.enqueue_dma source(%dma_start3A_18 : memref<640x128xf32, #tpu.memory_space<vmem_shared>>) target(%dma_start3A_16 : memref<640x128xf32, #tpu.memory_space<hbm>>) target_semaphore(%run_scoped3A : memref<!tpu.dma_semaphore, #tpu.memory_space<semaphore_mem>>)
      %dma_wait3A = arith.constant 0 : i32
      %dma_wait3A_19 = tpu.memref_slice %arg7[%arg0, %mul3A_14, %dma_wait3A] : memref<2x10240x128xf32, #tpu.memory_space<hbm>> -> memref<1x640x128xf32, #tpu.memory_space<hbm>>
      %dma_wait3A_20 = tpu.memref_squeeze %dma_wait3A_19 : memref<1x640x128xf32, #tpu.memory_space<hbm>> -> memref<640x128xf32, #tpu.memory_space<hbm>>
      %dma_wait3A_21 = arith.constant 0 : i32
      %dma_wait3A_22 = tpu.memref_slice %arg12[%mul3A_12, %dma_wait3A_21] : memref<10240x128xf32, #tpu.memory_space<vmem_shared>> -> memref<640x128xf32, #tpu.memory_space<vmem_shared>>
      tpu.wait_dma2 semaphore(%run_scoped3A : memref<!tpu.dma_semaphore, #tpu.memory_space<semaphore_mem>>) src(%dma_wait3A_22 : memref<640x128xf32, #tpu.memory_space<vmem_shared>>) dst(%dma_wait3A_20 : memref<640x128xf32, #tpu.memory_space<hbm>>)
      tpu.yield
    }) : () -> ()
    return
  }
}

module attributes {stable_mosaic.version = 14 : i64} {
  func.func @_xr_body(%arg0: i32, %arg1: memref<2000x128xf32, #tpu.memory_space<vmem>>, %arg2: memref<128x128xf32, #tpu.memory_space<vmem>>, %arg3: memref<2000x128xf32, #tpu.memory_space<vmem>>) attributes {dimension_semantics = [#tpu.dimension_semantics<arbitrary>], iteration_bounds = array<i64: 5>, scalar_prefetch = 0 : i64, scratch_operands = 0 : i64, tpu.core_type = #tpu.core_type<tc>, window_params = [{transform_indices = @transform_0, window_bounds = array<i64: 2000, 128>}, {pipeline_mode = #tpu.pipeline_mode<synchronous>, transform_indices = @transform_1, window_bounds = array<i64: 128, 128>}, {transform_indices = @transform_2, window_bounds = array<i64: 2000, 128>}]} {
    %get3A = arith.constant 0 : index
    %get3A_0 = arith.constant 0 : index
    %get3A_1 = vector.load %arg1[%get3A, %get3A_0] : memref<2000x128xf32, #tpu.memory_space<vmem>>, vector<2000x128xf32>
    %get3A_2 = arith.constant 0 : index
    %get3A_3 = arith.constant 0 : index
    %get3A_4 = vector.load %arg2[%get3A_2, %get3A_3] : memref<128x128xf32, #tpu.memory_space<vmem>>, vector<128x128xf32>
    %dot_general3A = arith.constant dense<0.000000e+00> : vector<2000x128xf32>
    %dot_general3A_5 = tpu.matmul %get3A_1, %get3A_4, %dot_general3A {dimension_numbers = #tpu.dot_dimension_numbers<[1], [0], [0], [1], [0, 0, 1, 1], [], []>, transpose_lhs_hint = false} : vector<2000x128xf32>, vector<128x128xf32>, vector<2000x128xf32> -> vector<2000x128xf32>
    %swap3A = arith.constant 0 : index
    %swap3A_6 = arith.constant 0 : index
    %swap3A_7 = vector.load %arg3[%swap3A, %swap3A_6] : memref<2000x128xf32, #tpu.memory_space<vmem>>, vector<2000x128xf32>
    tpu.vector_store %arg3[%swap3A, %swap3A_6], %dot_general3A_5 {strides = array<i32>} : memref<2000x128xf32, #tpu.memory_space<vmem>>, vector<2000x128xf32>,
    return
  }
  func.func @transform_0(%arg0: i32) -> (i32, i32) {
    %c0_i32 = arith.constant 0 : i32
    %c0_i32_0 = arith.constant 0 : i32
    return %arg0, %c0_i32 : i32, i32
  }
  func.func @transform_1(%arg0: i32) -> (i32, i32) {
    %c0_i32 = arith.constant 0 : i32
    %c0_i32_0 = arith.constant 0 : i32
    %c0_i32_1 = arith.constant 0 : i32
    return %c0_i32, %c0_i32_0 : i32, i32
  }
  func.func @transform_2(%arg0: i32) -> (i32, i32) {
    %c0_i32 = arith.constant 0 : i32
    %c0_i32_0 = arith.constant 0 : i32
    return %arg0, %c0_i32 : i32, i32
  }
}

module attributes {stable_mosaic.version = 14 : i64} {
  func.func @_eterm_body(%arg0: i32, %arg1: memref<8000x16xf32, #tpu.memory_space<vmem>>, %arg2: memref<16x16xf32, #tpu.memory_space<vmem>>, %arg3: memref<1x16xf32, #tpu.memory_space<vmem>>, %arg4: memref<16x128xf32, #tpu.memory_space<vmem>>, %arg5: memref<1x128xf32, #tpu.memory_space<vmem>>, %arg6: memref<8000x128xf32, #tpu.memory_space<vmem>>) attributes {dimension_semantics = [#tpu.dimension_semantics<arbitrary>], iteration_bounds = array<i64: 40>, scalar_prefetch = 0 : i64, scratch_operands = 0 : i64, tpu.core_type = #tpu.core_type<tc>, window_params = [{transform_indices = @transform_0, window_bounds = array<i64: 8000, 16>}, {pipeline_mode = #tpu.pipeline_mode<synchronous>, transform_indices = @transform_1, window_bounds = array<i64: 16, 16>}, {pipeline_mode = #tpu.pipeline_mode<synchronous>, transform_indices = @transform_2, window_bounds = array<i64: 1, 16>}, {pipeline_mode = #tpu.pipeline_mode<synchronous>, transform_indices = @transform_3, window_bounds = array<i64: 16, 128>}, {pipeline_mode = #tpu.pipeline_mode<synchronous>, transform_indices = @transform_4, window_bounds = array<i64: 1, 128>}, {transform_indices = @transform_5, window_bounds = array<i64: 8000, 128>}]} {
    %get3A = arith.constant 0 : index
    %get3A_0 = arith.constant 0 : index
    %get3A_1 = vector.load %arg1[%get3A, %get3A_0] : memref<8000x16xf32, #tpu.memory_space<vmem>>, vector<8000x16xf32>
    %get3A_2 = arith.constant 0 : index
    %get3A_3 = arith.constant 0 : index
    %get3A_4 = vector.load %arg2[%get3A_2, %get3A_3] : memref<16x16xf32, #tpu.memory_space<vmem>>, vector<16x16xf32>
    %dot_general3A = arith.constant dense<0.000000e+00> : vector<8000x16xf32>
    %dot_general3A_5 = tpu.matmul %get3A_1, %get3A_4, %dot_general3A {dimension_numbers = #tpu.dot_dimension_numbers<[1], [0], [0], [1], [0, 0, 1, 1], [], []>, transpose_lhs_hint = false} : vector<8000x16xf32>, vector<16x16xf32>, vector<8000x16xf32> -> vector<8000x16xf32>
    %get3A_6 = arith.constant 0 : index
    %get3A_7 = arith.constant 0 : index
    %get3A_8 = vector.load %arg3[%get3A_6, %get3A_7] : memref<1x16xf32, #tpu.memory_space<vmem>>, vector<1x16xf32>
    %add3A = vector.broadcast %get3A_8 : vector<1x16xf32> to vector<8000x16xf32>
    %add3A_9 = arith.addf %dot_general3A_5, %add3A : vector<8000x16xf32>
    %max3A = arith.constant 0.000000e+00 : f32
    %max3A_10 = vector.broadcast %max3A : f32 to vector<8000x16xf32>
    %max3A_11 = arith.maximumf %add3A_9, %max3A_10 : vector<8000x16xf32>
    %get3A_12 = arith.constant 0 : index
    %get3A_13 = arith.constant 0 : index
    %get3A_14 = vector.load %arg4[%get3A_12, %get3A_13] : memref<16x128xf32, #tpu.memory_space<vmem>>, vector<16x128xf32>
    %dot_general3A_15 = arith.constant dense<0.000000e+00> : vector<8000x128xf32>
    %dot_general3A_16 = tpu.matmul %max3A_11, %get3A_14, %dot_general3A_15 {dimension_numbers = #tpu.dot_dimension_numbers<[1], [0], [0], [1], [0, 0, 1, 1], [], []>, transpose_lhs_hint = false} : vector<8000x16xf32>, vector<16x128xf32>, vector<8000x128xf32> -> vector<8000x128xf32>
    %get3A_17 = arith.constant 0 : index
    %get3A_18 = arith.constant 0 : index
    %get3A_19 = vector.load %arg5[%get3A_17, %get3A_18] : memref<1x128xf32, #tpu.memory_space<vmem>>, vector<1x128xf32>
    %add3A_20 = vector.broadcast %get3A_19 : vector<1x128xf32> to vector<8000x128xf32>
    %add3A_21 = arith.addf %dot_general3A_16, %add3A_20 : vector<8000x128xf32>
    %swap3A = arith.constant 0 : index
    %swap3A_22 = arith.constant 0 : index
    %swap3A_23 = vector.load %arg6[%swap3A, %swap3A_22] : memref<8000x128xf32, #tpu.memory_space<vmem>>, vector<8000x128xf32>
    tpu.vector_store %arg6[%swap3A, %swap3A_22], %add3A_21 {strides = array<i32>} : memref<8000x128xf32, #tpu.memory_space<vmem>>, vector<8000x128xf32>,
    return
  }
  func.func @transform_0(%arg0: i32) -> (i32, i32) {
    %c0_i32 = arith.constant 0 : i32
    %c0_i32_0 = arith.constant 0 : i32
    return %arg0, %c0_i32 : i32, i32
  }
  func.func @transform_1(%arg0: i32) -> (i32, i32) {
    %c0_i32 = arith.constant 0 : i32
    %c0_i32_0 = arith.constant 0 : i32
    %c0_i32_1 = arith.constant 0 : i32
    return %c0_i32, %c0_i32_0 : i32, i32
  }
  func.func @transform_2(%arg0: i32) -> (i32, i32) {
    %c0_i32 = arith.constant 0 : i32
    %c0_i32_0 = arith.constant 0 : i32
    %c0_i32_1 = arith.constant 0 : i32
    return %c0_i32, %c0_i32_0 : i32, i32
  }
  func.func @transform_3(%arg0: i32) -> (i32, i32) {
    %c0_i32 = arith.constant 0 : i32
    %c0_i32_0 = arith.constant 0 : i32
    %c0_i32_1 = arith.constant 0 : i32
    return %c0_i32, %c0_i32_0 : i32, i32
  }
  func.func @transform_4(%arg0: i32) -> (i32, i32) {
    %c0_i32 = arith.constant 0 : i32
    %c0_i32_0 = arith.constant 0 : i32
    %c0_i32_1 = arith.constant 0 : i32
    return %c0_i32, %c0_i32_0 : i32, i32
  }
  func.func @transform_5(%arg0: i32) -> (i32, i32) {
    %c0_i32 = arith.constant 0 : i32
    %c0_i32_0 = arith.constant 0 : i32
    return %arg0, %c0_i32 : i32, i32
  }
}

module attributes {stable_mosaic.version = 14 : i64} {
  func.func @_out_body(%arg0: i32, %arg1: memref<2000x128xf32, #tpu.memory_space<vmem>>, %arg2: memref<2000x128xf32, #tpu.memory_space<vmem>>, %arg3: memref<2000x128xf32, #tpu.memory_space<vmem>>, %arg4: memref<128x128xf32, #tpu.memory_space<vmem>>, %arg5: memref<1x128xf32, #tpu.memory_space<vmem>>, %arg6: memref<128x128xf32, #tpu.memory_space<vmem>>, %arg7: memref<1x128xf32, #tpu.memory_space<vmem>>, %arg8: memref<2000x128xf32, #tpu.memory_space<vmem>>) attributes {dimension_semantics = [#tpu.dimension_semantics<arbitrary>], iteration_bounds = array<i64: 5>, scalar_prefetch = 0 : i64, scratch_operands = 0 : i64, tpu.core_type = #tpu.core_type<tc>, window_params = [{transform_indices = @transform_0, window_bounds = array<i64: 2000, 128>}, {transform_indices = @transform_1, window_bounds = array<i64: 2000, 128>}, {transform_indices = @transform_2, window_bounds = array<i64: 2000, 128>}, {pipeline_mode = #tpu.pipeline_mode<synchronous>, transform_indices = @transform_3, window_bounds = array<i64: 128, 128>}, {pipeline_mode = #tpu.pipeline_mode<synchronous>, transform_indices = @transform_4, window_bounds = array<i64: 1, 128>}, {pipeline_mode = #tpu.pipeline_mode<synchronous>, transform_indices = @transform_5, window_bounds = array<i64: 128, 128>}, {pipeline_mode = #tpu.pipeline_mode<synchronous>, transform_indices = @transform_6, window_bounds = array<i64: 1, 128>}, {transform_indices = @transform_7, window_bounds = array<i64: 2000, 128>}]} {
    %get3A = arith.constant 0 : index
    %get3A_0 = arith.constant 0 : index
    %get3A_1 = vector.load %arg1[%get3A, %get3A_0] : memref<2000x128xf32, #tpu.memory_space<vmem>>, vector<2000x128xf32>
    %get3A_2 = arith.constant 0 : index
    %get3A_3 = arith.constant 0 : index
    %get3A_4 = vector.load %arg2[%get3A_2, %get3A_3] : memref<2000x128xf32, #tpu.memory_space<vmem>>, vector<2000x128xf32>
    %add3A = arith.addf %get3A_1, %get3A_4 : vector<2000x128xf32>
    %get3A_5 = arith.constant 0 : index
    %get3A_6 = arith.constant 0 : index
    %get3A_7 = vector.load %arg3[%get3A_5, %get3A_6] : memref<2000x128xf32, #tpu.memory_space<vmem>>, vector<2000x128xf32>
    %add3A_8 = arith.addf %add3A, %get3A_7 : vector<2000x128xf32>
    %get3A_9 = arith.constant 0 : index
    %get3A_10 = arith.constant 0 : index
    %get3A_11 = vector.load %arg4[%get3A_9, %get3A_10] : memref<128x128xf32, #tpu.memory_space<vmem>>, vector<128x128xf32>
    %dot_general3A = arith.constant dense<0.000000e+00> : vector<2000x128xf32>
    %dot_general3A_12 = tpu.matmul %add3A_8, %get3A_11, %dot_general3A {dimension_numbers = #tpu.dot_dimension_numbers<[1], [0], [0], [1], [0, 0, 1, 1], [], []>, transpose_lhs_hint = false} : vector<2000x128xf32>, vector<128x128xf32>, vector<2000x128xf32> -> vector<2000x128xf32>
    %get3A_13 = arith.constant 0 : index
    %get3A_14 = arith.constant 0 : index
    %get3A_15 = vector.load %arg5[%get3A_13, %get3A_14] : memref<1x128xf32, #tpu.memory_space<vmem>>, vector<1x128xf32>
    %add3A_16 = vector.broadcast %get3A_15 : vector<1x128xf32> to vector<2000x128xf32>
    %add3A_17 = arith.addf %dot_general3A_12, %add3A_16 : vector<2000x128xf32>
    %max3A = arith.constant 0.000000e+00 : f32
    %max3A_18 = vector.broadcast %max3A : f32 to vector<2000x128xf32>
    %max3A_19 = arith.maximumf %add3A_17, %max3A_18 : vector<2000x128xf32>
    %get3A_20 = arith.constant 0 : index
    %get3A_21 = arith.constant 0 : index
    %get3A_22 = vector.load %arg6[%get3A_20, %get3A_21] : memref<128x128xf32, #tpu.memory_space<vmem>>, vector<128x128xf32>
    %dot_general3A_23 = arith.constant dense<0.000000e+00> : vector<2000x128xf32>
    %dot_general3A_24 = tpu.matmul %max3A_19, %get3A_22, %dot_general3A_23 {dimension_numbers = #tpu.dot_dimension_numbers<[1], [0], [0], [1], [0, 0, 1, 1], [], []>, transpose_lhs_hint = false} : vector<2000x128xf32>, vector<128x128xf32>, vector<2000x128xf32> -> vector<2000x128xf32>
    %get3A_25 = arith.constant 0 : index
    %get3A_26 = arith.constant 0 : index
    %get3A_27 = vector.load %arg7[%get3A_25, %get3A_26] : memref<1x128xf32, #tpu.memory_space<vmem>>, vector<1x128xf32>
    %add3A_28 = vector.broadcast %get3A_27 : vector<1x128xf32> to vector<2000x128xf32>
    %add3A_29 = arith.addf %dot_general3A_24, %add3A_28 : vector<2000x128xf32>
    %swap3A = arith.constant 0 : index
    %swap3A_30 = arith.constant 0 : index
    %swap3A_31 = vector.load %arg8[%swap3A, %swap3A_30] : memref<2000x128xf32, #tpu.memory_space<vmem>>, vector<2000x128xf32>
    tpu.vector_store %arg8[%swap3A, %swap3A_30], %add3A_29 {strides = array<i32>} : memref<2000x128xf32, #tpu.memory_space<vmem>>, vector<2000x128xf32>,
    return
  }
  func.func @transform_0(%arg0: i32) -> (i32, i32) {
    %c0_i32 = arith.constant 0 : i32
    %c0_i32_0 = arith.constant 0 : i32
    return %arg0, %c0_i32 : i32, i32
  }
  func.func @transform_1(%arg0: i32) -> (i32, i32) {
    %c0_i32 = arith.constant 0 : i32
    %c0_i32_0 = arith.constant 0 : i32
    return %arg0, %c0_i32 : i32, i32
  }
  func.func @transform_2(%arg0: i32) -> (i32, i32) {
    %c0_i32 = arith.constant 0 : i32
    %c0_i32_0 = arith.constant 0 : i32
    return %arg0, %c0_i32 : i32, i32
  }
  func.func @transform_3(%arg0: i32) -> (i32, i32) {
    %c0_i32 = arith.constant 0 : i32
    %c0_i32_0 = arith.constant 0 : i32
    %c0_i32_1 = arith.constant 0 : i32
    return %c0_i32, %c0_i32_0 : i32, i32
  }
  func.func @transform_4(%arg0: i32) -> (i32, i32) {
    %c0_i32 = arith.constant 0 : i32
    %c0_i32_0 = arith.constant 0 : i32
    %c0_i32_1 = arith.constant 0 : i32
    return %c0_i32, %c0_i32_0 : i32, i32
  }
  func.func @transform_5(%arg0: i32) -> (i32, i32) {
    %c0_i32 = arith.constant 0 : i32
    %c0_i32_0 = arith.constant 0 : i32
    %c0_i32_1 = arith.constant 0 : i32
    return %c0_i32, %c0_i32_0 : i32, i32
  }
  func.func @transform_6(%arg0: i32) -> (i32, i32) {
    %c0_i32 = arith.constant 0 : i32
    %c0_i32_0 = arith.constant 0 : i32
    %c0_i32_1 = arith.constant 0 : i32
    return %c0_i32, %c0_i32_0 : i32, i32
  }
  func.func @transform_7(%arg0: i32) -> (i32, i32) {
    %c0_i32 = arith.constant 0 : i32
    %c0_i32_0 = arith.constant 0 : i32
    return %arg0, %c0_i32 : i32, i32
  }
}

</mosaic_0001>

<sc_bundles>
// kernel: kernel.6.cloned.1.call-start
scs
__scs_entry_jumppad:
0x0: {  	(pc) =	sbr.rel $0x88, $3  }
0x1: {  	(tag) =	ssettag $0x0;
	lr =	simm.s32 $0x1  }
0x2: {  	[smem:$0x3F96] =	sst lr;
	_ =	strace $0xD0000000  }
0x3: {  	_ = 	snop  }
0x4: {  	_ = 	snop  }
0x5: {  	_ = 	snop  }
0x6: {  	_ = 	snop  }
0x7: {  	_ = 	snop  }
__scs_overlays_trampoline_lowered:
0x8: {  	[smem:$0x3FA5] =	sst s0  }
0x9: {  	[smem:$0x3FA6] =	sst s1  }
0xa: {  	[smem:$0x3FA7] =	sst s2  }
0xb: {  	[smem:$0x3FA8] =	sst s3  }
0xc: {  	[smem:$0x3FA9] =	sst s4  }
0xd: {  	[smem:$0x3FAA] =	sst s5  }
0xe: {  	[smem:$0x3FAB] =	sst s6  }
0xf: {  	[smem:$0x3FAC] =	sst s7  }
0x10: {  	[smem:$0x3FAD] =	sst s8  }
0x11: {  	[smem:$0x3FAE] =	sst s9;
	s0 =	simm.s32 @!p0 $0x0  }
0x12: {  	s1 =	sld [smem:$0x3F94];
	s0 =	simm.s32 @p0 $0x1  }
0x13: {  	[smem:$0x3FAF] =	sst s0;
	s0 =	simm.s32 @!p1 $0x0  }
0x14: {  	s2 =	sld [smem:$0x3F93];
	s0 =	simm.s32 @p1 $0x1  }
0x15: {  	[smem:$0x3FB0] =	sst s0;
	s0 =	simm.s32 @!p2 $0x0  }
0x16: {  	s3 =	sld [smem:$0x3FDB];
	s0 =	simm.s32 @p2 $0x1  }
0x17: {  	s4 =	simm.s32 $0x1BF5;
	[smem:$0x3FB2] =	sst s0  }
0x18: {  	s0 =	sld [smem:$0x3F95];
	_ =	swait.ge [sflag:s4], $0x0  }
0x19: {  	s7 =	sld [smem:$0x3F96]  }
0x1a: {  	s8 =	sadd.s32 $0xFFFFE003, lr  }
0x1b: {  	s9 =	sadd.s32 $0xFFFFFEF7, lr;
	s5 =	simm.s32 $0xFFFFFFFF;
	p2 =	slt.u32 s8, $0xFFFFF086  }
0x1c: {  	p1 =	slt.u32 s9, $0xF7A;
	s5 =	simm.s32 @!p2 $0x0  }
0x1d: {  	s5 =	simm.s32 @p1 $0x1;
	p0 =	seq.s32 s7, s2  }
0x1e: {  	s7 =	smul.u32 @!p0 $0xF7A, s2;
	p2 =	seq.s32 @!p0 s5, $0x0  }
0x1f: {  	s9 =	smul.u32 $0xF7A, s1;
	s8 =	simm.s32 @!p0 $0x1BF5;
	p2 =	por !p2, p0  }
0x20: {  	[sflag:s8] =	ssyncset.s32 @!p0 $0xFFFFF086;
	s6 =	sadd.s32 @!p0 s3, s7;
	s7 =	simm.s32 @!p0 $0x108  }
0x21: {  	s3 =	sadd.s32 s3, s9;
	s6 =	sadd.s32 @!p0 $0x88, s6;
	s7 =	simm.s32 @p2 $0x1082  }
0x22: {  	[simem:s7], [sflag:s8] =	dma.local @!p0 [hbm:s6], $0xF7A  }
0x23: {  	s9 =	sor.u32 $0xD0000000, s2;
	s6 =	simm.s32 $0x108;
	_ =	swait.ge @!p0 [sflag:s8], $0x0  }
0x24: {  	s3 =	sadd.s32 $0x88, s3;
	s6 =	simm.s32 @!p1 $0x1082;
	[sflag:s4] =	ssyncset.s32 $0xFFFFF086  }
0x25: {  	[simem:s6], [sflag:s4] =	dma.local [hbm:s3], $0xF7A  }
0x26: {  	[smem:$0x3F96] =	sst s1;
	(tag) =	ssettag s2;
	_ =	strace s9  }
0x27: {  	s1 =	sld [smem:$0x3FA6]  }
0x28: {  	s2 =	sld [smem:$0x3FA7]  }
0x29: {  	s4 =	sld [smem:$0x3FA9]  }
0x2a: {  	p0 =	seq.s32 s5, $0x0;
	s5 =	sld [smem:$0x3FAA]  }
0x2b: {  	s6 =	sld [smem:$0x3FAB]  }
0x2c: {  	s7 =	sld [smem:$0x3FAC]  }
0x2d: {  	s3 =	simm.s32 $0x108;
	s8 =	sld [smem:$0x3FAD]  }
0x2e: {  	s3 =	simm.s32 @!p0 $0x1082;
	s9 =	sld [smem:$0x3FAE]  }
0x2f: {  	lr =	sadd.s32 s0, s3;
	s0 =	sld [smem:$0x3FA5]  }
0x30: {  	s3 =	sld [smem:$0x3FA8]  }
0x31: {  	[smem:$0x3FB1] =	sst s10  }
0x32: {  	s10 =	sld [smem:$0x3FAF];
	_ =	sdelay $0x3  }
0x33: {  	p0 =	seq.s32 s10, $0x1;
	s10 =	sld [smem:$0x3FB1];
	_ =	sdelay $0x3  }
0x34: {  	[smem:$0x3FB1] =	sst s10  }
0x35: {  	s10 =	sld [smem:$0x3FB0];
	_ =	sdelay $0x3  }
0x36: {  	p1 =	seq.s32 s10, $0x1;
	s10 =	sld [smem:$0x3FB1];
	_ =	sdelay $0x3  }
0x37: {  	[smem:$0x3FB1] =	sst s10  }
0x38: {  	s10 =	sld [smem:$0x3FB2]  }
0x39: {  	_ = 	snop;
	(pc) =	sbr.ind lr, $3  }
0x3a: {  	_ = 	snop  }
0x3b: {  	_ = 	snop  }
0x3c: {  	p2 =	seq.s32 s10, $0x1;
	s10 =	sld [smem:$0x3FB1]  }
0x3d: {  	_ =	shalt  }
0x3e: {  	_ =	shalt  }
0x3f: {  	_ =	shalt  }
0x40: {  	_ =	shalt  }
0x41: {  	_ =	shalt  }
0x42: {  	_ =	shalt  }
0x43: {  	_ =	shalt  }
0x44: {  	_ =	shalt  }
0x45: {  	_ =	shalt  }
0x46: {  	_ =	shalt  }
0x47: {  	_ =	shalt  }
0x48: {  	_ =	shalt  }
0x49: {  	_ =	shalt  }
0x4a: {  	_ =	shalt  }
0x4b: {  	_ =	shalt  }
0x4c: {  	_ =	shalt  }
0x4d: {  	_ =	shalt  }
0x4e: {  	_ =	shalt  }
0x4f: {  	_ =	shalt  }
0x50: {  	_ =	shalt  }
0x51: {  	_ =	shalt  }
0x52: {  	_ =	shalt  }
0x53: {  	_ =	shalt  }
0x54: {  	_ =	shalt  }
0x55: {  	_ =	shalt  }
0x56: {  	_ =	shalt  }
0x57: {  	_ =	shalt  }
0x58: {  	_ =	shalt  }
0x59: {  	_ =	shalt  }
0x5a: {  	_ =	shalt  }
0x5b: {  	_ =	shalt  }
0x5c: {  	_ =	shalt  }
0x5d: {  	_ =	shalt  }
0x5e: {  	_ =	shalt  }
0x5f: {  	_ =	shalt  }
0x60: {  	_ =	shalt  }
0x61: {  	_ =	shalt  }
0x62: {  	_ =	shalt  }
0x63: {  	_ =	shalt  }
0x64: {  	_ =	shalt  }
0x65: {  	_ =	shalt  }
0x66: {  	_ =	shalt  }
0x67: {  	_ =	shalt  }
0x68: {  	_ =	shalt  }
0x69: {  	_ =	shalt  }
0x6a: {  	_ =	shalt  }
0x6b: {  	_ =	shalt  }
0x6c: {  	_ =	shalt  }
0x6d: {  	_ =	shalt  }
0x6e: {  	_ =	shalt  }
0x6f: {  	_ =	shalt  }
0x70: {  	_ =	shalt  }
0x71: {  	_ =	shalt  }
0x72: {  	_ =	shalt  }
0x73: {  	_ =	shalt  }
0x74: {  	_ =	shalt  }
0x75: {  	_ =	shalt  }
0x76: {  	_ =	shalt  }
0x77: {  	_ =	shalt  }
0x78: {  	_ =	shalt  }
0x79: {  	_ =	shalt  }
0x7a: {  	_ =	shalt  }
0x7b: {  	_ =	shalt  }
0x7c: {  	_ =	shalt  }
0x7d: {  	_ =	shalt  }
0x7e: {  	_ =	shalt  }
0x7f: {  	_ =	shalt  }
0x80: {  	_ =	shalt  }
0x81: {  	_ =	shalt  }
0x82: {  	_ =	shalt  }
0x83: {  	_ =	shalt  }
0x84: {  	_ =	shalt  }
0x85: {  	_ =	shalt  }
0x86: {  	_ =	shalt  }
0x87: {  	_ =	shalt  }
.Lfunc_end0:
.L_simem_size_0:
called_computation_lowered:
.L_overlay_start_0:
0x88: {  	s2 =	sld [smem:$0x3FD9]  }
0x89: {  	s3 =	sld [smem:$0x3FFE];
	_ =	sdelay $0x1  }
0x8a: {  	s1 =	srdreg.scid  }
0x8b: {  	s0 =	sand.u32 $0x1, s1  }
0x8c: {  	s17 =	sshll.u32 s0, $0xA;
	s2 =	sadd.s32 s3, s2  }
0x8d: {  	s2 =	sadd.s32 s2, s17  }
0x8e: {  	[smem:$0x3FBD] =	sst s2  }
0x8f: {  	_ = 	snop  }
0x90: {  	s2 =	sld [smem:$0x3FD0];
	(tm) =	ssettm $0x1  }
0x91: {  	s18 =	sld [smem:$0x3FFB];
	_ =	sdelay $0x3  }
0x92: {  	_ =	strace s18  }
0x93: {  	s3 =	sld [smem:$0x3FFC];
	_ =	sdelay $0x3  }
0x94: {  	_ =	strace s3  }
0x95: {  	s3 =	sld [smem:$0x3FFD];
	_ =	sdelay $0x3  }
0x96: {  	_ =	strace s3  }
0x97: {  	_ =	strace $0x8FFFFFFF  }
0x98: {  	s19 =	sld [smem:$0x3FDB];
	_ =	sdelay $0x1  }
0x99: {  	s4 =	simm.s32 $_scs_section_size  }
0x9a: {  	s5 =	simm.s32 $_size__tile_overlayer_lowered;
	s6 =	simm.s32 $_tile_overlayer_lowered  }
0x9b: {  	s22 =	simm.s32 $0x1BFF;
	s21 =	sshll.u32 s6, $0x1;
	s3 =	sadd.s32 s4, s19  }
0x9c: {  	s7 =	simm.s32 $0x0;
	s20 =	sshll.u32 s5, $0x1;
	s5 =	sadd.s32 s21, s3  }
0x9d: {  	[timem:s7], [sflag:s22] =	dma.local [hbm:s5], s20  }
0x9e: {  	_ =	swait.ge [sflag:s22], s20  }
0x9f: {  	s4 =	ssub.s32 $0x0, s20;
	[sflag:s22] =	ssyncset.done $0x0  }
0xa0: {  	[sflag:s22] =	ssyncadd.s32 s4;
	_ =	sdelay $0x1  }
0xa1: {  	s23 =	simm.s32 $0x1B8B  }
0xa2: {  	_ =	swait.ge [sflag:s23], $0x1  }
0xa3: {  	[sflag:s23] =	ssyncset.done $0x0  }
0xa4: {  	s25 =	simm.s32 $0x1B8E;
	s24 =	sld [smem:$0x3FFE];
	[sflag:s23] =	ssyncadd.s32 $0xFFFFFFFF  }
0xa5: {  	s26 =	simm.s32 $execute0_lowered;
	[smem:$0x3FD2] =	sst s25  }
0xa6: {  	s5 =	sshll.u32 s26, $0x1;
	_ =	strace $0x80000046;
	[dreg:$0x1] =	wrdreg $0xFFFFFFFF  }
0xa7: {  	s28 =	simm.s32 $_size_execute0_lowered;
	s3 =	sadd.s32 s3, s5;
	[dreg:$0x0] =	wrdreg $0x0  }
0xa8: {  	s5 =	sshll.u32 s28, $0x1;
	[dreg:$0x2] =	wrdreg s3  }
0xa9: {  	[dreg:$0x3] =	wrdreg s5  }
0xaa: {  	[dreg:$0x4] =	wrdreg $0xC0  }
0xab: {  	_ =	task [dreg:s7], $0x5FFFF  }
0xac: {  	[dreg:$0x1] =	wrdreg $0xFFFFFFFF  }
0xad: {  	[dreg:$0x0] =	wrdreg $0x60  }
0xae: {  	[dreg:$0x2] =	wrdreg s24  }
0xaf: {  	[dreg:$0x3] =	wrdreg s2  }
0xb0: {  	[dreg:$0x4] =	wrdreg $0x90800  }
0xb1: {  	[dreg:$0x5] =	wrdreg $0x9  }
0xb2: {  	_ =	task.clear_ibuf [dreg:s7], $0x6FFFF;
	_ =	strace $0x90000046  }
0xb3: {  	s29 =	simm.s32 $0x9;
	_ =	strace $0x80000048  }
0xb4: {  	_ =	swait.ge [sflag:s29], $0x1  }
0xb5: {  	[sflag:s29] =	ssyncadd.s32 $0xFFFFFFFF  }
0xb6: {  	_ =	strace $0x90000048  }
0xb7: {  	_ =	sfence  }
0xb8: {  	s30 =	sld [smem:$0x0];
	_ =	sdelay $0x2  }
0xb9: {  	s31 =	sshll.u32 s1, $0xD;
	s1 =	sshrl.u32 s1, $0x2  }
0xba: {  	s3 =	sand.u32 $0x4000, s31;
	s1 =	sadd.s32 s1, s30  }
0xbb: {  	s0 =	sor.u32 s3, s0;
	s1 =	sshll.u32 s1, $0x11  }
0xbc: {  	s0 =	sor.u32 s1, s0  }
0xbd: {  	s0 =	sadd.s32 $0x8F2B, s0  }
0xbe: {  	[sflag:s0] =	ssyncadd.remote.s32 $0x1  }
0xbf: {  	_ =	sfence.sel $0xFFFF  }
0xc0: {  	[dreg:$0x0] =	wrdreg $0xFFFFFFFF;
	(pc) =	sbr.abs _section_cstart, $3  }
0xc1: {  	[dreg:$0x1] =	wrdreg $0xFFFFFFFF  }
0xc2: {  	_ =	task.clear_ibuf [dreg:s7], $0x2FFFF;
	_ =	strace $0x9FFFFFFF  }
0xc3: {  	(tm) =	ssettm $0x7FFFFFFF  }
tec
execute0_lowered:
.L_overlay_start_1:
0x0: {  	(tag) =	ssettag $0x1  }
0x1: {  	s6 =	rddreg [dreg:$0x0]  }
0x2: {  	s1 =	rddreg [dreg:$0x1];
	s0 =	srdreg.scid  }
0x3: {  	s3 =	rddreg [dreg:$0x2];
	s2 =	stileid.u32  }
0x4: {  	s4 =	simm.s32 $0x0;
	s16 =	simm.s32 $0x50;
	s17 =	simm.s32 $0x4080  }
0x5: {  	s18 =	simm.s32 $0x6880;
	s19 =	simm.s32 $0x1;
	s20 =	simm.s32 $0x0  }
0x6: {  	s7 =	sand.u32 $0x1, s0;
	s0 =	rddreg [dreg:$0x3];
	s8 =	smul.u32 $0x14000, s2  }
0x7: {  	[smem:$0x7FF] =	sst s4;
	s28 =	smul.u32 $0x50000, s2;
	s31 =	sshll.u32 s2, $0x6  }
0x8: {  	s5 =	sshll.u32 s7, $0x4;
	s9 =	smul.u32 $0x140000, s7;
	_ =	strace $0x80000047  }
0x9: {  	s7 =	ssub.s32 $0x2, s7;
	s10 =	sor.u32 s2, s5;
	s12 =	sshrl.u32 s8, $0x3  }
0xa: {  	s29 =	sshrl.u32 s7, $0x1;
	s30 =	sshrl.u32 s28, $0x2;
	s5 =	sshll.u32 s10, $0xB  }
0xb: {  	s8 =	sadd.s32 s8, s9;
	s12 =	sadd.s32 s12, s6;
	s14 =	ssub.s32 s7, s29  }
0xc: {  	s15 =	sadd.s32 s30, s3;
	s7 =	sor.u32 $0x1C02, s31;
	s10 =	smul.u32 $0x138800, s10  }
0xd: {  	s11 =	sadd.s32 s5, s6;
	s5 =	sadd.s32 $0x503800, s6;
	s8 =	sshrl.u32 s8, $0x3  }
0xe: {  	s13 =	sadd.s32 s8, s6;
	s6 =	sadd.s32 $0x21800, s12;
	s8 =	sadd.s32 $0x1800, s11  }
0xf: {  	s9 =	sadd.s32 $0x11800, s11;
	s12 =	smax.u32 s14, $0x1;
	s14 =	simm.s32 $0x2  }
0x10: {  	s11 =	sadd.s32 $0x49800, s13;
	s13 =	sshrl.u32 s15, $0x3;
	s15 =	simm.s32 $0x4000  }
.LBB2_1:
0x11: {  	[spmem:s13], [sflag:s7] =	dma.local [hbm:s6], $0x2800  }
0x12: {  	_ =	swait.ge [sflag:s14], $0x2800  }
0x13: {  	[sflag:s14] =	ssyncset.done $0x0  }
0x14: {  	[sflag:s14] =	ssyncadd.s32 $0xFFFFD800  }
0x15: {  	[tilespmem:s4], [sflag:$0x2] =	stream.linear.gather [hbm4b:s8+s4], $0x3E80, $0x38;
	[tilespmem:$0x1D080] =	vst v63  }
0x16: {  	_ =	swait.ge [sflag:s14], $0x3E80  }
0x17: {  	[sflag:s14] =	ssyncset.done $0x0  }
0x18: {  	[sflag:s14] =	ssyncadd.s32 $0xFFFFC180  }
0x19: {  	s21 =	simm.s32 $0x0;
	[bflag:$0x0] =	sbarrier.arrive $0xFFFF  }
.LBB2_2:
0x1a: {  	s22 =	sshll.u32 s21, $0x4  }
0x1b: {  	s22 =	sadd.s32 s22, s9  }
0x1c: {  	[tilespmem:s15], [sflag:$0x2] =	stream.linear.gather [hbm4b:s22+s4], $0x80, $0x38;
	[tilespmem:$0x1D080] =	vst v63  }
0x1d: {  	s23 =	smul.u32 $0x2800, s21;
	_ =	swait.ge [sflag:s14], $0x80  }
0x1e: {  	s30 =	sshll.u32 s21, $0x7;
	[sflag:s14] =	ssyncset.done $0x0  }
0x1f: {  	s22 =	sand.u32 $0x3FFFFF80, s30;
	s31 =	sadd.s32 s10, s23;
	[sflag:s14] =	ssyncadd.s32 $0xFFFFFF80  }
0x20: {  	[tilespmem:s17], [sflag:$0x1] =	stream.indirect.gather [hbm4b:s1+s16], $0x80, s22, s16, $0xb8;
	[tilespmem:$0x1D080] =	vst v63  }
0x21: {  	s22 =	sshrl.u32 s31, $0x3  }
0x22: {  	s22 =	sadd.s32 s5, s22  }
0x23: {  	[tilespmem:s18], [sflag:$0x2] =	stream.linear.gather [hbm4b:s22+s4], $0x2800, $0x38;
	[tilespmem:$0x1D080] =	vst v63  }
0x24: {  	_ =	swait.ge [sflag:s14], $0x2800  }
0x25: {  	[sflag:s14] =	ssyncset.done $0x0  }
0x26: {  	[sflag:s14] =	ssyncadd.s32 $0xFFFFD800  }
0x27: {  	_ =	swait.ge [sflag:s19], $0x2800  }
0x28: {  	[sflag:s19] =	ssyncset.done $0x0  }
0x29: {  	s22 =	simm.s32 $0x4100;
	[sflag:s19] =	ssyncadd.s32 $0xFFFFD800  }
0x2a: {  	s23 =	simm.s32 $0x6900;
	v0 =	vld [tilespmem:s22+$0xFFFFFF80]  }
0x2b: {  	v1 =	vld [tilespmem:s23+$0xFFFFFF80];
	_ =	sdelay $0x4  }
0x2c: {  	v0 =	vadd.f32 v1, v0;
	_ =	sdelay $0x1  }
0x2d: {  	v0 =	vmax.f32 v0, $0.0e+00  }
0x2e: {  	[tilespmem:s22+$0xFFFFFF80] =	vst v0;
	v0 =	vld [tilespmem:s22+$0xFFFFFF90]  }
0x2f: {  	v1 =	vld [tilespmem:s23+$0xFFFFFF90];
	_ =	sdelay $0x4  }
0x30: {  	v0 =	vadd.f32 v1, v0;
	_ =	sdelay $0x1  }
0x31: {  	v0 =	vmax.f32 v0, $0.0e+00  }
0x32: {  	[tilespmem:s22+$0xFFFFFF90] =	vst v0;
	v0 =	vld [tilespmem:s22+$0xFFFFFFA0]  }
0x33: {  	v1 =	vld [tilespmem:s23+$0xFFFFFFA0];
	_ =	sdelay $0x4  }
0x34: {  	v0 =	vadd.f32 v1, v0;
	_ =	sdelay $0x1  }
0x35: {  	v0 =	vmax.f32 v0, $0.0e+00  }
0x36: {  	[tilespmem:s22+$0xFFFFFFA0] =	vst v0;
	v0 =	vld [tilespmem:s22+$0xFFFFFFB0]  }
0x37: {  	v1 =	vld [tilespmem:s23+$0xFFFFFFB0];
	_ =	sdelay $0x4  }
0x38: {  	v0 =	vadd.f32 v1, v0;
	_ =	sdelay $0x1  }
0x39: {  	v0 =	vmax.f32 v0, $0.0e+00  }
0x3a: {  	[tilespmem:s22+$0xFFFFFFB0] =	vst v0;
	v0 =	vld [tilespmem:s22+$0xFFFFFFC0]  }
0x3b: {  	v1 =	vld [tilespmem:s23+$0xFFFFFFC0];
	_ =	sdelay $0x4  }
0x3c: {  	v0 =	vadd.f32 v1, v0;
	_ =	sdelay $0x1  }
0x3d: {  	v0 =	vmax.f32 v0, $0.0e+00  }
0x3e: {  	[tilespmem:s22+$0xFFFFFFC0] =	vst v0;
	v0 =	vld [tilespmem:s22+$0xFFFFFFD0]  }
0x3f: {  	v1 =	vld [tilespmem:s23+$0xFFFFFFD0];
	_ =	sdelay $0x4  }
0x40: {  	v0 =	vadd.f32 v1, v0;
	_ =	sdelay $0x1  }
0x41: {  	v0 =	vmax.f32 v0, $0.0e+00  }
0x42: {  	[tilespmem:s22+$0xFFFFFFD0] =	vst v0;
	v0 =	vld [tilespmem:s22+$0xFFFFFFE0]  }
0x43: {  	v1 =	vld [tilespmem:s23+$0xFFFFFFE0];
	_ =	sdelay $0x4  }
0x44: {  	v0 =	vadd.f32 v1, v0;
	_ =	sdelay $0x1  }
0x45: {  	v0 =	vmax.f32 v0, $0.0e+00  }
0x46: {  	[tilespmem:s22+$0xFFFFFFE0] =	vst v0;
	v0 =	vld [tilespmem:s22+$0xFFFFFFF0]  }
0x47: {  	v1 =	vld [tilespmem:s23+$0xFFFFFFF0];
	_ =	sdelay $0x4  }
0x48: {  	v0 =	vadd.f32 v1, v0;
	_ =	sdelay $0x1  }
0x49: {  	v0 =	vmax.f32 v0, $0.0e+00  }
0x4a: {  	[tilespmem:s22+$0xFFFFFFF0] =	vst v0;
	v0 =	vld [tilespmem:s22+$0x0]  }
0x4b: {  	v1 =	vld [tilespmem:s23+$0x0];
	_ =	sdelay $0x4  }
0x4c: {  	v0 =	vadd.f32 v1, v0;
	_ =	sdelay $0x1  }
0x4d: {  	v0 =	vmax.f32 v0, $0.0e+00  }
0x4e: {  	[tilespmem:s22+$0x0] =	vst v0;
	v0 =	vld [tilespmem:s22+$0x10]  }
0x4f: {  	v1 =	vld [tilespmem:s23+$0x10];
	_ =	sdelay $0x4  }
0x50: {  	v0 =	vadd.f32 v1, v0;
	_ =	sdelay $0x1  }
0x51: {  	v0 =	vmax.f32 v0, $0.0e+00  }
0x52: {  	[tilespmem:s22+$0x10] =	vst v0;
	v0 =	vld [tilespmem:s22+$0x20]  }
0x53: {  	v1 =	vld [tilespmem:s23+$0x20];
	_ =	sdelay $0x4  }
0x54: {  	v0 =	vadd.f32 v1, v0;
	_ =	sdelay $0x1  }
0x55: {  	v0 =	vmax.f32 v0, $0.0e+00  }
0x56: {  	[tilespmem:s22+$0x20] =	vst v0;
	v0 =	vld [tilespmem:s22+$0x30]  }
0x57: {  	v1 =	vld [tilespmem:s23+$0x30];
	_ =	sdelay $0x4  }
0x58: {  	v0 =	vadd.f32 v1, v0;
	_ =	sdelay $0x1  }
0x59: {  	v0 =	vmax.f32 v0, $0.0e+00  }
0x5a: {  	[tilespmem:s22+$0x30] =	vst v0;
	v0 =	vld [tilespmem:s22+$0x40]  }
0x5b: {  	v1 =	vld [tilespmem:s23+$0x40];
	_ =	sdelay $0x4  }
0x5c: {  	v0 =	vadd.f32 v1, v0;
	_ =	sdelay $0x1  }
0x5d: {  	v0 =	vmax.f32 v0, $0.0e+00  }
0x5e: {  	[tilespmem:s22+$0x40] =	vst v0;
	v0 =	vld [tilespmem:s22+$0x50]  }
0x5f: {  	v1 =	vld [tilespmem:s23+$0x50];
	_ =	sdelay $0x4  }
0x60: {  	v0 =	vadd.f32 v1, v0;
	_ =	sdelay $0x1  }
0x61: {  	v0 =	vmax.f32 v0, $0.0e+00  }
0x62: {  	[tilespmem:s22+$0x50] =	vst v0;
	v0 =	vld [tilespmem:s22+$0x60]  }
0x63: {  	v1 =	vld [tilespmem:s23+$0x60];
	_ =	sdelay $0x4  }
0x64: {  	v0 =	vadd.f32 v1, v0;
	_ =	sdelay $0x1  }
0x65: {  	v0 =	vmax.f32 v0, $0.0e+00  }
0x66: {  	[tilespmem:s22+$0x60] =	vst v0;
	v0 =	vld [tilespmem:s22+$0x70]  }
0x67: {  	v1 =	vld [tilespmem:s23+$0x70];
	_ =	sdelay $0x4  }
0x68: {  	v0 =	vadd.f32 v1, v0;
	_ =	sdelay $0x1  }
0x69: {  	s24 =	simm.s32 $0x0;
	s25 =	simm.s32 $0x4200;
	v0 =	vmax.f32 v0, $0.0e+00  }
.LBB2_3:
0x6a: {  	v1 =	vld [tilespmem:s25+$0xFFFFFF80];
	[tilespmem:s22+$0x70] =	vst v0;
	s23 =	sadd.s32 $0x100, s23;
	s22 =	smov.u32 s25  }
0x6b: {  	s24 =	sadd.s32 $0x2, s24;
	v0 =	vld [tilespmem:s23+$0xFFFFFF80]  }
0x6c: {  	p0 =	slt.u32 s24, $0x4E;
	_ =	sdelay $0x3  }
0x6d: {  	v0 =	vadd.f32 v0, v1;
	_ =	sdelay $0x1  }
0x6e: {  	v0 =	vmax.f32 v0, $0.0e+00  }
0x6f: {  	[tilespmem:s25+$0xFFFFFF80] =	vst v0;
	v0 =	vld [tilespmem:s25+$0xFFFFFF90]  }
0x70: {  	v1 =	vld [tilespmem:s23+$0xFFFFFF90];
	_ =	sdelay $0x4  }
0x71: {  	v0 =	vadd.f32 v1, v0;
	_ =	sdelay $0x1  }
0x72: {  	v0 =	vmax.f32 v0, $0.0e+00  }
0x73: {  	[tilespmem:s25+$0xFFFFFF90] =	vst v0;
	v0 =	vld [tilespmem:s25+$0xFFFFFFA0]  }
0x74: {  	v1 =	vld [tilespmem:s23+$0xFFFFFFA0];
	_ =	sdelay $0x4  }
0x75: {  	v0 =	vadd.f32 v1, v0;
	_ =	sdelay $0x1  }
0x76: {  	v0 =	vmax.f32 v0, $0.0e+00  }
0x77: {  	[tilespmem:s25+$0xFFFFFFA0] =	vst v0;
	v0 =	vld [tilespmem:s25+$0xFFFFFFB0]  }
0x78: {  	v1 =	vld [tilespmem:s23+$0xFFFFFFB0];
	_ =	sdelay $0x4  }
0x79: {  	v0 =	vadd.f32 v1, v0;
	_ =	sdelay $0x1  }
0x7a: {  	v0 =	vmax.f32 v0, $0.0e+00  }
0x7b: {  	[tilespmem:s25+$0xFFFFFFB0] =	vst v0;
	v0 =	vld [tilespmem:s25+$0xFFFFFFC0]  }
0x7c: {  	v1 =	vld [tilespmem:s23+$0xFFFFFFC0];
	_ =	sdelay $0x4  }
0x7d: {  	v0 =	vadd.f32 v1, v0;
	_ =	sdelay $0x1  }
0x7e: {  	v0 =	vmax.f32 v0, $0.0e+00  }
0x7f: {  	[tilespmem:s25+$0xFFFFFFC0] =	vst v0;
	v0 =	vld [tilespmem:s25+$0xFFFFFFD0]  }
0x80: {  	v1 =	vld [tilespmem:s23+$0xFFFFFFD0];
	_ =	sdelay $0x4  }
0x81: {  	v0 =	vadd.f32 v1, v0;
	_ =	sdelay $0x1  }
0x82: {  	v0 =	vmax.f32 v0, $0.0e+00  }
0x83: {  	[tilespmem:s25+$0xFFFFFFD0] =	vst v0;
	v0 =	vld [tilespmem:s25+$0xFFFFFFE0]  }
0x84: {  	v1 =	vld [tilespmem:s23+$0xFFFFFFE0];
	_ =	sdelay $0x4  }
0x85: {  	v0 =	vadd.f32 v1, v0;
	_ =	sdelay $0x1  }
0x86: {  	v0 =	vmax.f32 v0, $0.0e+00  }
0x87: {  	[tilespmem:s25+$0xFFFFFFE0] =	vst v0;
	v0 =	vld [tilespmem:s25+$0xFFFFFFF0]  }
0x88: {  	v1 =	vld [tilespmem:s23+$0xFFFFFFF0];
	_ =	sdelay $0x4  }
0x89: {  	v0 =	vadd.f32 v1, v0;
	_ =	sdelay $0x1  }
0x8a: {  	v0 =	vmax.f32 v0, $0.0e+00  }
0x8b: {  	[tilespmem:s25+$0xFFFFFFF0] =	vst v0;
	v0 =	vld [tilespmem:s25+$0x0]  }
0x8c: {  	v1 =	vld [tilespmem:s23+$0x0];
	_ =	sdelay $0x4  }
0x8d: {  	v0 =	vadd.f32 v1, v0;
	_ =	sdelay $0x1  }
0x8e: {  	v0 =	vmax.f32 v0, $0.0e+00  }
0x8f: {  	[tilespmem:s25+$0x0] =	vst v0;
	v0 =	vld [tilespmem:s25+$0x10]  }
0x90: {  	v1 =	vld [tilespmem:s23+$0x10];
	_ =	sdelay $0x4  }
0x91: {  	v0 =	vadd.f32 v1, v0;
	_ =	sdelay $0x1  }
0x92: {  	v0 =	vmax.f32 v0, $0.0e+00  }
0x93: {  	[tilespmem:s25+$0x10] =	vst v0;
	v0 =	vld [tilespmem:s25+$0x20]  }
0x94: {  	v1 =	vld [tilespmem:s23+$0x20];
	_ =	sdelay $0x4  }
0x95: {  	v0 =	vadd.f32 v1, v0;
	_ =	sdelay $0x1  }
0x96: {  	v0 =	vmax.f32 v0, $0.0e+00  }
0x97: {  	[tilespmem:s25+$0x20] =	vst v0;
	v0 =	vld [tilespmem:s25+$0x30]  }
0x98: {  	v1 =	vld [tilespmem:s23+$0x30];
	_ =	sdelay $0x4  }
0x99: {  	v0 =	vadd.f32 v1, v0;
	_ =	sdelay $0x1  }
0x9a: {  	v0 =	vmax.f32 v0, $0.0e+00  }
0x9b: {  	[tilespmem:s25+$0x30] =	vst v0;
	v0 =	vld [tilespmem:s25+$0x40]  }
0x9c: {  	v1 =	vld [tilespmem:s23+$0x40];
	_ =	sdelay $0x4  }
0x9d: {  	v0 =	vadd.f32 v1, v0;
	_ =	sdelay $0x1  }
0x9e: {  	v0 =	vmax.f32 v0, $0.0e+00  }
0x9f: {  	[tilespmem:s25+$0x40] =	vst v0;
	v0 =	vld [tilespmem:s25+$0x50]  }
0xa0: {  	v1 =	vld [tilespmem:s23+$0x50];
	_ =	sdelay $0x4  }
0xa1: {  	v0 =	vadd.f32 v1, v0;
	_ =	sdelay $0x1  }
0xa2: {  	v0 =	vmax.f32 v0, $0.0e+00  }
0xa3: {  	[tilespmem:s25+$0x50] =	vst v0;
	v0 =	vld [tilespmem:s25+$0x60]  }
0xa4: {  	v1 =	vld [tilespmem:s23+$0x60];
	_ =	sdelay $0x4  }
0xa5: {  	v0 =	vadd.f32 v1, v0;
	_ =	sdelay $0x1  }
0xa6: {  	v0 =	vmax.f32 v0, $0.0e+00  }
0xa7: {  	[tilespmem:s25+$0x60] =	vst v0;
	v0 =	vld [tilespmem:s25+$0x70]  }
0xa8: {  	v1 =	vld [tilespmem:s23+$0x70];
	_ =	sdelay $0x2  }
.Ltmp0:
0xa9: {  	(pc) =	sbr.rel @p0 .LBB2_3-.Ltmp0, $3  }
0xaa: {  	_ = 	snop  }
0xab: {  	v0 =	vadd.f32 v1, v0;
	_ =	sdelay $0x1  }
0xac: {  	s25 =	sadd.s32 $0x100, s25;
	v0 =	vmax.f32 v0, $0.0e+00  }
0xad: {  	s21 =	sadd.s32 $0x1, s21  }
0xae: {  	p0 =	sne.s32 s21, $0x7D  }
.Ltmp1:
0xaf: {  	[tilespmem:s22+$0x70] =	vst v0;
	(pc) =	sbr.rel @p0 .LBB2_2-.Ltmp1, $4  }
0xb0: {  	[spmem:s3] =	stream.indirect.scatter.add.f32 [tilespmem:s17], [sflag:$0x2], $0x80, s15, s16, $0xb8;
	[tilespmem:$0x1D080] =	vst v63  }
0xb1: {  	_ =	swait.ge [sflag:s14], $0x2800  }
0xb2: {  	[sflag:s14] =	ssyncset.done $0x0  }
0xb3: {  	[sflag:s14] =	ssyncadd.s32 $0xFFFFD800  }
0xb4: {  	s20 =	sadd.s32 $0x1, s20  }
0xb5: {  	p0 =	sne.s32 s20, s12  }
.Ltmp2:
0xb6: {  	[bflag:$0x0] =	sbarrier.arrive $0xFFFF;
	(pc) =	sbr.rel @p0 .LBB2_1-.Ltmp2, $4  }
0xb7: {  	[hbm:s11], [sflag:s7] =	dma.local [spmem:s13], $0x2800  }
0xb8: {  	_ =	swait.ge [sflag:s14], $0x2800  }
0xb9: {  	[sflag:s14] =	ssyncset.done $0x0  }
0xba: {  	[sflag:s14] =	ssyncadd.s32 $0xFFFFD800  }
0xbb: {  	_ =	sfence.sel $0x180000  }
0xbc: {  	[bflag:$0x0] =	sbarrier.arrive $0xFFFF  }
0xbd: {  	p0 =	sne.s32 s2, $0x0;
	_ =	strace $0x90000047  }
0xbe: {  	s0 =	sadd.s32 @!p0 $0x100000, s0;
	[bflag:$0x2] =	sbarrier.arrive $0xFFFF  }
0xbf: {  	[sflag:s0] =	ssyncadd.tile.s32 @!p0 $0x1;
	_ =	shalt  }
.Lfunc_end2:
_tile_overlayer_lowered:
.L_overlay_start_2:
0xc0: {  	(tag) =	ssettag $0x2  }
0xc1: {  	s0 =	rddreg [dreg:$0x0];
	s2 =	stileid.u32  }
0xc2: {  	s1 =	rddreg [dreg:$0x1];
	p0 =	sne.s32 s2, $0x0  }
0xc3: {  	s3 =	rddreg [dreg:$0x2];
	[bflag:$0x3] =	sbarrier.arrive $0xFFFF;
	s2 =	simm.s32 @!p0 $0x1C02  }
0xc4: {  	[timem:s3], [sflag:s2] =	dma.local @!p0 [hbm:s0], s1  }
0xc5: {  	s0 =	simm.s32 @!p0 $0x2  }
0xc6: {  	_ =	swait.ge @!p0 [sflag:s0], s1  }
0xc7: {  	s1 =	ssub.s32 @!p0 $0x0, s1;
	[sflag:s0] =	ssyncset.done @!p0 $0x0  }
0xc8: {  	[sflag:s0] =	ssyncadd.s32 @!p0 s1  }
0xc9: {  	[bflag:$0x3] =	sbarrier.arrive $0xFFFF  }
0xca: {  	_ =	shalt  }

</sc_bundles>
